<compile_context>
chip_gen: v7x
topology: tpu7x:2x2x1
jax: 0.10.2.dev20260603
libtpu: 0.0.44.dev20260713+nightly
codegen_flags: <defaults>
</compile_context>

<pallas_src>
import functools

import jax
import jax.numpy as jnp
from jax import lax
from jax.experimental import pallas as pl
from jax.experimental.pallas import tpu as pltpu
from jax.experimental.pallas import tpu_sc as plsc

IN_F = 16
OUT_F = 32
NUM_PT = 256
K = 16
UP_FTR = 2
B = 8
N = NUM_PT * UP_FTR
D_IN = NUM_PT * IN_F
D_OUT = NUM_PT * UP_FTR * OUT_F

MLP_BLK = 512
L = 16
NTILES = 32
ROWS_PER_TILE = (B * N) // NTILES
TILES_PER_BATCH = N // ROWS_PER_TILE


def _mlp_kernel(x_ref, w_ref, b_ref, out_ref):
    acc = lax.dot_general(
        x_ref[...].astype(jnp.bfloat16), w_ref[...].astype(jnp.bfloat16),
        dimension_numbers=(((1,), (1,)), ((), ())),
        preferred_element_type=jnp.float32,
    )
    out_ref[...] = acc + b_ref[...]


BISECT_ITERS = 28


def _prep_kernel(feat_ref, wt_ref, bg_ref, dist_ref, sup_ref, thr_ref):
    feat = feat_ref[0, :, :]
    g = lax.dot_general(
        feat, feat, dimension_numbers=(((0,), (0,)), ((), ())),
        preferred_element_type=jnp.float32,
        precision=lax.Precision.HIGHEST,
    )
    sq = feat * feat
    n_row = jnp.sum(sq, axis=0, keepdims=True)
    ones = jnp.ones((OUT_F, 1), dtype=jnp.float32)
    n_col = lax.dot_general(
        sq, ones, dimension_numbers=(((0,), (0,)), ((), ())),
        preferred_element_type=jnp.float32,
        precision=lax.Precision.HIGHEST,
    )
    d0 = n_col + n_row - 2.0 * g
    dist = 0.5 * (d0 + lax.transpose(d0, (1, 0)))
    dist_ref[0, :, :] = dist

    lo = jnp.min(dist, axis=0, keepdims=True) - 1e-3
    hi = jnp.max(dist, axis=0, keepdims=True) + 1e-3

    def body(_, carry):
        lo_, hi_ = carry
        mid = 0.5 * (lo_ + hi_)
        cnt = jnp.sum((dist <= mid).astype(jnp.float32), axis=0, keepdims=True)
        pred = cnt >= float(K)
        return (jnp.where(pred, lo_, mid), jnp.where(pred, mid, hi_))

    lo, hi = lax.fori_loop(0, BISECT_ITERS, body, (lo, hi))
    thr_ref[0, :, :] = hi

    support_t = lax.dot_general(
        wt_ref[...], feat, dimension_numbers=(((1,), (0,)), ((), ())),
        preferred_element_type=jnp.float32,
        precision=lax.Precision.HIGHEST,
    )
    sup_ref[0, :, :] = support_t + bg_ref[...]


def _merge16(ak, av, bk, bv, descending=None):
    m = ak <= bk
    ck = jnp.where(m, ak, bk)
    cv = jnp.where(m, av, bv)
    if descending is None:
        return ck, cv
    return plsc.sort_key_val(ck, cv, descending=descending)


def _sc_body(d_hbm, s_hbm, t_hbm, out_hbm, d_v, s_v, t_v, ib_v, ex_v, ob_v):
    wid = lax.axis_index("s") * 2 + lax.axis_index("c")
    b = wid // TILES_PER_BATCH
    q0 = (wid % TILES_PER_BATCH) * ROWS_PER_TILE
    pltpu.sync_copy(d_hbm.at[pl.ds(wid * ROWS_PER_TILE, ROWS_PER_TILE)], d_v)
    pltpu.sync_copy(s_hbm.at[b], s_v)
    pltpu.sync_copy(t_hbm.at[pl.ds(wid * ROWS_PER_TILE, ROWS_PER_TILE)], t_v)

    iota = lax.iota(jnp.int32, L)
    nxi = N * iota
    NC = N // L

    def row_body(j, carry):
        tgrp = t_v[pl.ds(pl.multiple_of((j // L) * L, L), L)]
        t = jnp.take_along_axis(tgrp, jnp.broadcast_to(j % L, (L,)), axis=0)
        cnt0 = jnp.zeros((L,), jnp.int32)
        cnt1 = jnp.zeros((L,), jnp.int32)
        for c in range(NC):
            keys = d_v[j, pl.ds(c * L, L)]
            mask = keys <= t
            plsc.store_compressed(ib_v.at[pl.ds(c * L, L)], iota + c * L,
                                  mask=mask)
            cntc = plsc.all_reduce_population_count(mask)
            if c < L:
                cnt0 = jnp.where(iota == c, cntc, cnt0)
            else:
                cnt1 = jnp.where(iota == (c - L), cntc, cnt1)
        inc0 = plsc.cumsum(cnt0)
        tot0 = jnp.take_along_axis(inc0, jnp.full((L,), L - 1, jnp.int32),
                                   axis=0)
        inc1 = plsc.cumsum(cnt1) + tot0
        exc0 = inc0 - cnt0
        exc1 = inc1 - cnt1
        ex_v[pl.ds(0, L)] = exc0
        ex_v[pl.ds(L, L)] = exc1

        one = jnp.full((L,), 1, jnp.int32)
        zero = jnp.zeros((L,), jnp.int32)
        ge = zero
        for c in range(NC):
            src = exc0 if c < L else exc1
            s_c = jnp.take_along_axis(src, jnp.full((L,), c % L, jnp.int32),
                                      axis=0)
            ge = ge + jnp.where(s_c <= iota, one, zero)
        chunkv = jnp.clip(ge - one, 0, NC - 1)
        startv = plsc.load_gather(ex_v, [chunkv])
        addr_ib = jnp.clip(chunkv * L + (iota - startv), 0, N - 1)
        top_idx = jnp.clip(plsc.load_gather(ib_v, [addr_ib]), 0, N - 1)

        acc0 = jnp.zeros((L,), jnp.float32)
        acc1 = jnp.zeros((L,), jnp.float32)
        for k in range(K):
            kvec = jnp.full((L,), k, jnp.int32)
            sel = jnp.take_along_axis(top_idx, kvec, axis=0)
            addr0 = sel + nxi
            acc0 = acc0 + plsc.load_gather(s_v, [addr0])
            acc1 = acc1 + plsc.load_gather(s_v, [addr0 + L * N])
        acc0 = acc0 * (1.0 / K)
        acc1 = acc1 * (1.0 / K)

        jcol = jnp.full((L,), 0, jnp.int32) + j
        plsc.store_scatter(ob_v, [iota, jcol], acc0)
        plsc.store_scatter(ob_v, [iota + L, jcol], acc1)
        return carry

    lax.fori_loop(0, ROWS_PER_TILE, row_body, 0)
    pltpu.sync_copy(ob_v, out_hbm.at[b, :, pl.ds(q0, ROWS_PER_TILE)])


@jax.jit
def kernel(input, W_mlp, b_mlp, W_gcn, b_gcn):
    x = input.astype(jnp.float32)
    num_blk = D_OUT // MLP_BLK
    b2 = b_mlp.reshape(1, D_OUT)
    feat_flat = pl.pallas_call(
        _mlp_kernel,
        grid=(num_blk,),
        in_specs=[
            pl.BlockSpec((B, D_IN), lambda j: (0, 0)),
            pl.BlockSpec((MLP_BLK, D_IN), lambda j: (j, 0)),
            pl.BlockSpec((1, MLP_BLK), lambda j: (0, j)),
        ],
        out_specs=pl.BlockSpec((B, MLP_BLK), lambda j: (0, j)),
        out_shape=jax.ShapeDtypeStruct((B, D_OUT), jnp.float32),
    )(x, W_mlp, b2)
    feat = feat_flat.reshape(B, OUT_F, N)

    wt = W_gcn[0].T
    bg = b_gcn[0]
    dist, sup, thr = pl.pallas_call(
        _prep_kernel,
        grid=(B,),
        in_specs=[
            pl.BlockSpec((1, OUT_F, N), lambda b: (b, 0, 0)),
            pl.BlockSpec((OUT_F, OUT_F), lambda b: (0, 0)),
            pl.BlockSpec((OUT_F, 1), lambda b: (0, 0)),
        ],
        out_specs=[
            pl.BlockSpec((1, N, N), lambda b: (b, 0, 0)),
            pl.BlockSpec((1, OUT_F, N), lambda b: (b, 0, 0)),
            pl.BlockSpec((1, 1, N), lambda b: (b, 0, 0)),
        ],
        out_shape=[
            jax.ShapeDtypeStruct((B, N, N), jnp.float32),
            jax.ShapeDtypeStruct((B, OUT_F, N), jnp.float32),
            jax.ShapeDtypeStruct((B, 1, N), jnp.float32),
        ],
    )(feat, wt, bg)

    sc_call = functools.partial(
        pl.kernel,
        mesh=plsc.VectorSubcoreMesh(core_axis_name="c", subcore_axis_name="s"),
        out_type=jax.ShapeDtypeStruct((B, OUT_F, N), jnp.float32),
        scratch_types=[
            pltpu.VMEM((ROWS_PER_TILE, N), jnp.float32),
            pltpu.VMEM((OUT_F * N,), jnp.float32),
            pltpu.VMEM((ROWS_PER_TILE,), jnp.float32),
            pltpu.VMEM((N,), jnp.int32),
            pltpu.VMEM((2 * L,), jnp.int32),
            pltpu.VMEM((OUT_F, ROWS_PER_TILE), jnp.float32),
        ],
        compiler_params=pltpu.CompilerParams(needs_layout_passes=False),
    )(_sc_body)
    out = sc_call(dist.reshape(B * N, N), sup.reshape(B, OUT_F * N),
                  thr.reshape(B * N))

    return out.reshape(B, D_OUT)

# --- scband reference (transcript-rebuilt; emitter-appended) ---
"""Pipeline reference for scband-gconv-1382979469319 (READ-ONLY COPY).

The authoritative reference and input builder live on the scoring server;
editing this copy changes nothing except your own understanding.
"""

import jax, jax.numpy as jnp
import numpy as np

IN_F = 16
OUT_F = 32
NUM_PT = 256
K = 16
UP_FTR = 2
B = 8
N = NUM_PT * UP_FTR  # 512


def setup_inputs(seed: int = 0) -> dict:
    key = jax.random.key(seed)
    ks = jax.random.split(key, 5)
    x = jax.random.normal(ks[0], (B, NUM_PT * IN_F), dtype=jnp.float32)
    # MLP (nn.Linear) params: weight (out, in), bias (out,)
    fan_in = NUM_PT * IN_F
    bound = 1.0 / np.sqrt(fan_in)
    W_mlp = jax.random.uniform(ks[1], (NUM_PT * UP_FTR * OUT_F, NUM_PT * IN_F), minval=-bound, maxval=bound, dtype=jnp.float32)
    b_mlp = jax.random.uniform(ks[2], (NUM_PT * UP_FTR * OUT_F,), minval=-bound, maxval=bound, dtype=jnp.float32)
    # GraphConvolution params: weight (1, F, F), bias (1, F, 1), uniform(-stdv, stdv), stdv = 1/sqrt(out_features)
    stdv = 1.0 / np.sqrt(OUT_F)
    W_gcn = jax.random.uniform(ks[3], (1, OUT_F, OUT_F), minval=-stdv, maxval=stdv, dtype=jnp.float32)
    b_gcn = jax.random.uniform(ks[4], (1, OUT_F, 1), minval=-stdv, maxval=stdv, dtype=jnp.float32)
    return {"input": x, "W_mlp": W_mlp, "b_mlp": b_mlp, "W_gcn": W_gcn, "b_gcn": b_gcn}


def reference(input, W_mlp, b_mlp, W_gcn, b_gcn):
    Bsz = input.shape[0]
    # feat = self.MLP(input)
    feat = input @ W_mlp.T + b_mlp  # (B, NUM_PT*UP_FTR*OUT_F)
    # up_ftr > 1 branch
    feat = feat.reshape(Bsz, -1, NUM_PT * UP_FTR)  # (B, OUT_F, N)
    # dist_mat = torch.norm(feat[:, :, :, None] - feat[:, :, None, :], p=2, dim=1)
    diff = feat[:, :, :, None] - feat[:, :, None, :]  # (B, OUT_F, N, N)
    dist_mat = jnp.sqrt(jnp.sum(diff * diff, axis=1))  # (B, N, N)
    # sparse_topk: K smallest per row -> weight 1/K at those indices
    kk = max(1, min(K, dist_mat.shape[-1]))
    _, idx = jax.lax.top_k(-dist_mat, kk)  # indices of kk smallest distances, (B, N, kk)
    adj = jnp.zeros_like(dist_mat)
    b_ix = jnp.arange(Bsz)[:, None, None]
    r_ix = jnp.arange(N)[None, :, None]
    adj = adj.at[b_ix, r_ix, idx].set(1.0 / K)  # (B, N, N)
    # GraphConvolution forward
    support = jnp.matmul(jnp.swapaxes(feat, 1, 2), W_gcn)  # (B, N, F) @ (1, F, F) -> (B, N, F)
    support = jnp.matmul(adj, support)  # bmm (B, N, N) @ (B, N, F)
    output = jnp.swapaxes(support, 1, 2) + b_gcn  # (B, F, N) + (1, F, 1)
    # feat = feat.reshape(input.size(0), -1)
    return output.reshape(Bsz, -1)

if __name__ == "__main__":
    import jax
    _d = setup_inputs()
    print(jax.jit(kernel)(*tuple(_d.values())))

</pallas_src>

<mosaic_0001>
#map = affine_map<(d0, d1) -> (0, 0)>
#map1 = affine_map<(d0, d1) -> (0)>
#map2 = affine_map<(d0, d1) -> (0, 0, 0)>
module attributes {stable_mosaic.version = 14 : i64} {
  func.func @_sc_body(%arg0: i32, %arg1: i32, %arg2: memref<4096x512xf32, #tpu.memory_space<hbm>>, %arg3: memref<8x16384xf32, #tpu.memory_space<hbm>>, %arg4: memref<4096xf32, #tpu.memory_space<hbm>>, %arg5: memref<8x32x512xf32, #tpu.memory_space<hbm>>, %arg6: memref<128x512xf32, #tpu.memory_space<vmem>>, %arg7: memref<16384xf32, #tpu.memory_space<vmem>>, %arg8: memref<128xf32, #tpu.memory_space<vmem>>, %arg9: memref<512xi32, #tpu.memory_space<vmem>>, %arg10: memref<32xi32, #tpu.memory_space<vmem>>, %arg11: memref<32x128xf32, #tpu.memory_space<vmem>>) attributes {dimension_semantics = [#tpu.dimension_semantics<core_parallel>, #tpu.dimension_semantics<subcore_parallel>], iteration_bounds = array<i64: 2, 16>, scalar_prefetch = 0 : i64, scratch_operands = 6 : i64, tpu.core_type = #tpu.core_type<sc_vector_subcore>, window_params = [{transform_indices = #map}, {transform_indices = #map}, {transform_indices = #map1}, {transform_indices = #map2}]} {
    %mul3A = arith.constant 2 : i32
    %mul3A_0 = arith.muli %arg1, %mul3A : i32
    %add3A = arith.addi %mul3A_0, %arg0 : i32
    %jit3A = arith.constant 4 : i32
    %div3A = arith.divsi %add3A, %jit3A : i32
    %sign3A = arith.constant 0 : i32
    %sign3A_1 = arith.cmpi sgt, %add3A, %sign3A : i32
    %sign3A_2 = arith.extui %sign3A_1 : i1 to i32
    %sign3A_3 = arith.constant 0 : i32
    %sign3A_4 = arith.cmpi slt, %add3A, %sign3A_3 : i32
    %sign3A_5 = arith.extui %sign3A_4 : i1 to i32
    %sign3A_6 = arith.subi %sign3A_2, %sign3A_5 : i32
    %sign3A_7 = arith.constant 0 : i32
    %sign3A_8 = arith.cmpi sgt, %jit3A, %sign3A_7 : i32
    %sign3A_9 = arith.extui %sign3A_8 : i1 to i32
    %sign3A_10 = arith.constant 0 : i32
    %sign3A_11 = arith.cmpi slt, %jit3A, %sign3A_10 : i32
    %sign3A_12 = arith.extui %sign3A_11 : i1 to i32
    %sign3A_13 = arith.subi %sign3A_9, %sign3A_12 : i32
    %ne3A = arith.cmpi ne, %sign3A_6, %sign3A_13 : i32
    %rem3A = arith.remsi %add3A, %jit3A : i32
    %ne3A_14 = arith.constant 0 : i32
    %ne3A_15 = arith.cmpi ne, %rem3A, %ne3A_14 : i32
    %and3A = arith.andi %ne3A, %ne3A_15 : i1
    %sub3A = arith.constant 1 : i32
    %sub3A_16 = arith.subi %div3A, %sub3A : i32
    %select_n3A = arith.select %and3A, %sub3A_16, %div3A : i32
    %jit3A_17 = arith.constant 4 : i32
    %eq3A = arith.constant 0 : i32
    %eq3A_18 = arith.cmpi eq, %jit3A_17, %eq3A : i32
    %jit3A_19 = arith.constant 1 : i32
    %select_n3A_20 = arith.select %eq3A_18, %jit3A_19, %jit3A_17 : i32
    %rem3A_21 = arith.remsi %add3A, %select_n3A_20 : i32
    %ne3A_22 = arith.constant 0 : i32
    %ne3A_23 = arith.cmpi ne, %rem3A_21, %ne3A_22 : i32
    %lt3A = arith.constant 0 : i32
    %lt3A_24 = arith.cmpi slt, %rem3A_21, %lt3A : i32
    %lt3A_25 = arith.constant 0 : i32
    %lt3A_26 = arith.cmpi slt, %select_n3A_20, %lt3A_25 : i32
    %ne3A_27 = arith.xori %lt3A_24, %lt3A_26 : i1
    %and3A_28 = arith.andi %ne3A_27, %ne3A_23 : i1
    %add3A_29 = arith.addi %rem3A_21, %select_n3A_20 : i32
    %select_n3A_30 = arith.select %and3A_28, %add3A_29, %rem3A_21 : i32
    %mul3A_31 = arith.constant 128 : i32
    %mul3A_32 = arith.muli %select_n3A_30, %mul3A_31 : i32
    %mul3A_33 = arith.constant 128 : i32
    %mul3A_34 = arith.muli %add3A, %mul3A_33 : i32
    "tpu.region"() ({
      %run_scoped3A = tpu.sem_alloc : memref<!tpu.dma_semaphore, #tpu.memory_space<semaphore_mem>>
      %dma_start3A = arith.constant 0 : i32
      %dma_start3A_45 = tpu.memref_slice %arg2[%mul3A_34, %dma_start3A] : memref<4096x512xf32, #tpu.memory_space<hbm>> -> memref<128x512xf32, #tpu.memory_space<hbm>>
      %dma_start3A_46 = arith.constant 0 : i32
      %dma_start3A_47 = tpu.memref_slice %arg2[%mul3A_34, %dma_start3A_46] : memref<4096x512xf32, #tpu.memory_space<hbm>> -> memref<128x512xf32, #tpu.memory_space<hbm>>
      tpu.enqueue_dma source(%dma_start3A_47 : memref<128x512xf32, #tpu.memory_space<hbm>>) target(%arg6 : memref<128x512xf32, #tpu.memory_space<vmem>>) target_semaphore(%run_scoped3A : memref<!tpu.dma_semaphore, #tpu.memory_space<semaphore_mem>>)
      %dma_wait3A = arith.constant 0 : i32
      %dma_wait3A_48 = tpu.memref_slice %arg2[%mul3A_34, %dma_wait3A] : memref<4096x512xf32, #tpu.memory_space<hbm>> -> memref<128x512xf32, #tpu.memory_space<hbm>>
      %dma_wait3A_49 = arith.constant 0 : i32
      %dma_wait3A_50 = tpu.memref_slice %arg2[%mul3A_34, %dma_wait3A_49] : memref<4096x512xf32, #tpu.memory_space<hbm>> -> memref<128x512xf32, #tpu.memory_space<hbm>>
      tpu.wait_dma2 semaphore(%run_scoped3A : memref<!tpu.dma_semaphore, #tpu.memory_space<semaphore_mem>>) src(%dma_wait3A_50 : memref<128x512xf32, #tpu.memory_space<hbm>>) dst(%arg6 : memref<128x512xf32, #tpu.memory_space<vmem>>)
      tpu.yield
    }) : () -> ()
    "tpu.region"() ({
      %run_scoped3A = tpu.sem_alloc : memref<!tpu.dma_semaphore, #tpu.memory_space<semaphore_mem>>
      %dma_start3A = arith.constant 0 : i32
      %dma_start3A_45 = tpu.memref_slice %arg3[%select_n3A, %dma_start3A] : memref<8x16384xf32, #tpu.memory_space<hbm>> -> memref<1x16384xf32, #tpu.memory_space<hbm>>
      %dma_start3A_46 = tpu.memref_squeeze %dma_start3A_45 : memref<1x16384xf32, #tpu.memory_space<hbm>> -> memref<16384xf32, #tpu.memory_space<hbm>>
      %dma_start3A_47 = arith.constant 0 : i32
      %dma_start3A_48 = tpu.memref_slice %arg3[%select_n3A, %dma_start3A_47] : memref<8x16384xf32, #tpu.memory_space<hbm>> -> memref<1x16384xf32, #tpu.memory_space<hbm>>
      %dma_start3A_49 = tpu.memref_squeeze %dma_start3A_48 : memref<1x16384xf32, #tpu.memory_space<hbm>> -> memref<16384xf32, #tpu.memory_space<hbm>>
      tpu.enqueue_dma source(%dma_start3A_49 : memref<16384xf32, #tpu.memory_space<hbm>>) target(%arg7 : memref<16384xf32, #tpu.memory_space<vmem>>) target_semaphore(%run_scoped3A : memref<!tpu.dma_semaphore, #tpu.memory_space<semaphore_mem>>)
      %dma_wait3A = arith.constant 0 : i32
      %dma_wait3A_50 = tpu.memref_slice %arg3[%select_n3A, %dma_wait3A] : memref<8x16384xf32, #tpu.memory_space<hbm>> -> memref<1x16384xf32, #tpu.memory_space<hbm>>
      %dma_wait3A_51 = tpu.memref_squeeze %dma_wait3A_50 : memref<1x16384xf32, #tpu.memory_space<hbm>> -> memref<16384xf32, #tpu.memory_space<hbm>>
      %dma_wait3A_52 = arith.constant 0 : i32
      %dma_wait3A_53 = tpu.memref_slice %arg3[%select_n3A, %dma_wait3A_52] : memref<8x16384xf32, #tpu.memory_space<hbm>> -> memref<1x16384xf32, #tpu.memory_space<hbm>>
      %dma_wait3A_54 = tpu.memref_squeeze %dma_wait3A_53 : memref<1x16384xf32, #tpu.memory_space<hbm>> -> memref<16384xf32, #tpu.memory_space<hbm>>
      tpu.wait_dma2 semaphore(%run_scoped3A : memref<!tpu.dma_semaphore, #tpu.memory_space<semaphore_mem>>) src(%dma_wait3A_54 : memref<16384xf32, #tpu.memory_space<hbm>>) dst(%arg7 : memref<16384xf32, #tpu.memory_space<vmem>>)
      tpu.yield
    }) : () -> ()
    %mul3A_35 = arith.constant 128 : i32
    %mul3A_36 = arith.muli %add3A, %mul3A_35 : i32
    "tpu.region"() ({
      %run_scoped3A = tpu.sem_alloc : memref<!tpu.dma_semaphore, #tpu.memory_space<semaphore_mem>>
      %dma_start3A = tpu.memref_slice %arg4[%mul3A_36] : memref<4096xf32, #tpu.memory_space<hbm>> -> memref<128xf32, #tpu.memory_space<hbm>>
      %dma_start3A_45 = tpu.memref_slice %arg4[%mul3A_36] : memref<4096xf32, #tpu.memory_space<hbm>> -> memref<128xf32, #tpu.memory_space<hbm>>
      tpu.enqueue_dma source(%dma_start3A_45 : memref<128xf32, #tpu.memory_space<hbm>>) target(%arg8 : memref<128xf32, #tpu.memory_space<vmem>>) target_semaphore(%run_scoped3A : memref<!tpu.dma_semaphore, #tpu.memory_space<semaphore_mem>>)
      %dma_wait3A = tpu.memref_slice %arg4[%mul3A_36] : memref<4096xf32, #tpu.memory_space<hbm>> -> memref<128xf32, #tpu.memory_space<hbm>>
      %dma_wait3A_46 = tpu.memref_slice %arg4[%mul3A_36] : memref<4096xf32, #tpu.memory_space<hbm>> -> memref<128xf32, #tpu.memory_space<hbm>>
      tpu.wait_dma2 semaphore(%run_scoped3A : memref<!tpu.dma_semaphore, #tpu.memory_space<semaphore_mem>>) src(%dma_wait3A_46 : memref<128xf32, #tpu.memory_space<hbm>>) dst(%arg8 : memref<128xf32, #tpu.memory_space<vmem>>)
      tpu.yield
    }) : () -> ()
    %iota3A = tpu.iota {dimensions = array<i32: 0>} : vector<16xi32>
    %mul3A_37 = arith.constant 512 : i32
    %mul3A_38 = vector.broadcast %mul3A_37 : i32 to vector<16xi32>
    %mul3A_39 = arith.muli %mul3A_38, %iota3A : vector<16xi32>
    %scan3A = arith.constant 0 : i32
    %scan3A_40 = arith.constant 0 : i32
    %scan3A_41 = arith.constant 128 : i32
    %scan3A_42 = arith.addi %scan3A_40, %scan3A_41 : i32
    %scan3A_43 = arith.constant 1 : i32
    scf.for %scan3A_45 = %scan3A_40 to %scan3A_42 step %scan3A_43  : i32 {
      %jit3A_46 = arith.constant 16 : i32
      %div3A_47 = arith.divsi %scan3A_45, %jit3A_46 : i32
      %sign3A_48 = arith.constant 0 : i32
      %sign3A_49 = arith.cmpi sgt, %scan3A_45, %sign3A_48 : i32
      %sign3A_50 = arith.extui %sign3A_49 : i1 to i32
      %sign3A_51 = arith.constant 0 : i32
      %sign3A_52 = arith.cmpi slt, %scan3A_45, %sign3A_51 : i32
      %sign3A_53 = arith.extui %sign3A_52 : i1 to i32
      %sign3A_54 = arith.subi %sign3A_50, %sign3A_53 : i32
      %sign3A_55 = arith.constant 0 : i32
      %sign3A_56 = arith.cmpi sgt, %jit3A_46, %sign3A_55 : i32
      %sign3A_57 = arith.extui %sign3A_56 : i1 to i32
      %sign3A_58 = arith.constant 0 : i32
      %sign3A_59 = arith.cmpi slt, %jit3A_46, %sign3A_58 : i32
      %sign3A_60 = arith.extui %sign3A_59 : i1 to i32
      %sign3A_61 = arith.subi %sign3A_57, %sign3A_60 : i32
      %ne3A_62 = arith.cmpi ne, %sign3A_54, %sign3A_61 : i32
      %rem3A_63 = arith.remsi %scan3A_45, %jit3A_46 : i32
      %ne3A_64 = arith.constant 0 : i32
      %ne3A_65 = arith.cmpi ne, %rem3A_63, %ne3A_64 : i32
      %and3A_66 = arith.andi %ne3A_62, %ne3A_65 : i1
      %sub3A_67 = arith.constant 1 : i32
      %sub3A_68 = arith.subi %div3A_47, %sub3A_67 : i32
      %select_n3A_69 = arith.select %and3A_66, %sub3A_68, %div3A_47 : i32
      %mul3A_70 = arith.constant 16 : i32
      %mul3A_71 = arith.muli %select_n3A_69, %mul3A_70 : i32
      %multiple_of3A = tpu.assume_multiple %mul3A_71, 16 : i32
      %get3A = arith.index_cast %multiple_of3A : i32 to index
      %get3A_72 = tpu.vector_load %arg8[%get3A] {strides = array<i32>} : memref<128xf32, #tpu.memory_space<vmem>>, vector<16xf32>,
      %jit3A_73 = arith.constant 16 : i32
      %eq3A_74 = arith.constant 0 : i32
      %eq3A_75 = arith.cmpi eq, %jit3A_73, %eq3A_74 : i32
      %jit3A_76 = arith.constant 1 : i32
      %select_n3A_77 = arith.select %eq3A_75, %jit3A_76, %jit3A_73 : i32
      %rem3A_78 = arith.remsi %scan3A_45, %select_n3A_77 : i32
      %ne3A_79 = arith.constant 0 : i32
      %ne3A_80 = arith.cmpi ne, %rem3A_78, %ne3A_79 : i32
      %lt3A_81 = arith.constant 0 : i32
      %lt3A_82 = arith.cmpi slt, %rem3A_78, %lt3A_81 : i32
      %lt3A_83 = arith.constant 0 : i32
      %lt3A_84 = arith.cmpi slt, %select_n3A_77, %lt3A_83 : i32
      %ne3A_85 = arith.xori %lt3A_82, %lt3A_84 : i1
      %and3A_86 = arith.andi %ne3A_85, %ne3A_80 : i1
      %add3A_87 = arith.addi %rem3A_78, %select_n3A_77 : i32
      %select_n3A_88 = arith.select %and3A_86, %add3A_87, %rem3A_78 : i32
      %broadcast_in_dim3A = vector.broadcast %select_n3A_88 : i32 to vector<16xi32>
      %lt3A_89 = arith.constant 0 : i32
      %lt3A_90 = vector.broadcast %lt3A_89 : i32 to vector<16xi32>
      %lt3A_91 = arith.cmpi slt, %broadcast_in_dim3A, %lt3A_90 : vector<16xi32>
      %add3A_92 = arith.constant 16 : i32
      %add3A_93 = vector.broadcast %add3A_92 : i32 to vector<16xi32>
      %add3A_94 = arith.addi %broadcast_in_dim3A, %add3A_93 : vector<16xi32>
      %select_n3A_95 = arith.select %lt3A_91, %add3A_94, %broadcast_in_dim3A : vector<16xi1>, vector<16xi32>
      %reshape3A = vector.shape_cast %select_n3A_95 : vector<16xi32> to vector<16x1xi32>
      %gather3A = vector.shape_cast %reshape3A : vector<16x1xi32> to vector<16xi32>
      %gather3A_96 = tpu.dynamic_gather %get3A_72[%gather3A] in [0] : vector<16xf32>, vector<16xi32> -> vector<16xf32>
      %broadcast_in_dim3A_97 = arith.constant 0 : i32
      %broadcast_in_dim3A_98 = vector.broadcast %broadcast_in_dim3A_97 : i32 to vector<16xi32>
      %broadcast_in_dim3A_99 = arith.constant 0 : i32
      %broadcast_in_dim3A_100 = vector.broadcast %broadcast_in_dim3A_99 : i32 to vector<16xi32>
      %get3A_101 = arith.index_cast %scan3A_45 : i32 to index
      %get3A_102 = arith.constant 0 : index
      %get3A_103 = tpu.vector_load %arg6[%get3A_101, %get3A_102] {strides = array<i32>} : memref<128x512xf32, #tpu.memory_space<vmem>>, vector<16xf32>,
      %le3A = arith.cmpf ole, %get3A_103, %gather3A_96 : vector<16xf32>
      %add3A_104 = arith.constant 0 : i32
      %add3A_105 = vector.broadcast %add3A_104 : i32 to vector<16xi32>
      %add3A_106 = arith.addi %iota3A, %add3A_105 : vector<16xi32>
      %swap3A = arith.constant 0 : index
      %swap3A_107 = tpu.vector_load %arg9[%swap3A] masked %le3A {strides = array<i32>} : memref<512xi32, #tpu.memory_space<vmem>>, vector<16xi32>, vector<16xi1>
      tpu.vector_store %arg9[%swap3A], %add3A_106 masked %le3A {strides = array<i32>} : memref<512xi32, #tpu.memory_space<vmem>>, vector<16xi32>, vector<16xi1>
      %all_reduce_population_count3A = tpu.all_reduce %le3A {dim = 0 : i64, kind = #tpu.reduction_kind<sum>} : vector<16xi1> -> vector<16xi32>
      %eq3A_108 = arith.constant 0 : i32
      %eq3A_109 = vector.broadcast %eq3A_108 : i32 to vector<16xi32>
      %eq3A_110 = arith.cmpi eq, %iota3A, %eq3A_109 : vector<16xi32>
      %select_n3A_111 = arith.select %eq3A_110, %all_reduce_population_count3A, %broadcast_in_dim3A_98 : vector<16xi1>, vector<16xi32>
      %get3A_112 = arith.index_cast %scan3A_45 : i32 to index
      %get3A_113 = arith.constant 16 : index
      %get3A_114 = tpu.vector_load %arg6[%get3A_112, %get3A_113] {strides = array<i32>} : memref<128x512xf32, #tpu.memory_space<vmem>>, vector<16xf32>,
      %le3A_115 = arith.cmpf ole, %get3A_114, %gather3A_96 : vector<16xf32>
      %add3A_116 = arith.constant 16 : i32
      %add3A_117 = vector.broadcast %add3A_116 : i32 to vector<16xi32>
      %add3A_118 = arith.addi %iota3A, %add3A_117 : vector<16xi32>
      %swap3A_119 = arith.constant 16 : index
      %swap3A_120 = tpu.vector_load %arg9[%swap3A_119] masked %le3A_115 {strides = array<i32>} : memref<512xi32, #tpu.memory_space<vmem>>, vector<16xi32>, vector<16xi1>
      tpu.vector_store %arg9[%swap3A_119], %add3A_118 masked %le3A_115 {strides = array<i32>} : memref<512xi32, #tpu.memory_space<vmem>>, vector<16xi32>, vector<16xi1>
      %all_reduce_population_count3A_121 = tpu.all_reduce %le3A_115 {dim = 0 : i64, kind = #tpu.reduction_kind<sum>} : vector<16xi1> -> vector<16xi32>
      %eq3A_122 = arith.constant 1 : i32
      %eq3A_123 = vector.broadcast %eq3A_122 : i32 to vector<16xi32>
      %eq3A_124 = arith.cmpi eq, %iota3A, %eq3A_123 : vector<16xi32>
      %select_n3A_125 = arith.select %eq3A_124, %all_reduce_population_count3A_121, %select_n3A_111 : vector<16xi1>, vector<16xi32>
      %get3A_126 = arith.index_cast %scan3A_45 : i32 to index
      %get3A_127 = arith.constant 32 : index
      %get3A_128 = tpu.vector_load %arg6[%get3A_126, %get3A_127] {strides = array<i32>} : memref<128x512xf32, #tpu.memory_space<vmem>>, vector<16xf32>,
      %le3A_129 = arith.cmpf ole, %get3A_128, %gather3A_96 : vector<16xf32>
      %add3A_130 = arith.constant 32 : i32
      %add3A_131 = vector.broadcast %add3A_130 : i32 to vector<16xi32>
      %add3A_132 = arith.addi %iota3A, %add3A_131 : vector<16xi32>
      %swap3A_133 = arith.constant 32 : index
      %swap3A_134 = tpu.vector_load %arg9[%swap3A_133] masked %le3A_129 {strides = array<i32>} : memref<512xi32, #tpu.memory_space<vmem>>, vector<16xi32>, vector<16xi1>
      tpu.vector_store %arg9[%swap3A_133], %add3A_132 masked %le3A_129 {strides = array<i32>} : memref<512xi32, #tpu.memory_space<vmem>>, vector<16xi32>, vector<16xi1>
      %all_reduce_population_count3A_135 = tpu.all_reduce %le3A_129 {dim = 0 : i64, kind = #tpu.reduction_kind<sum>} : vector<16xi1> -> vector<16xi32>
      %eq3A_136 = arith.constant 2 : i32
      %eq3A_137 = vector.broadcast %eq3A_136 : i32 to vector<16xi32>
      %eq3A_138 = arith.cmpi eq, %iota3A, %eq3A_137 : vector<16xi32>
      %select_n3A_139 = arith.select %eq3A_138, %all_reduce_population_count3A_135, %select_n3A_125 : vector<16xi1>, vector<16xi32>
      %get3A_140 = arith.index_cast %scan3A_45 : i32 to index
      %get3A_141 = arith.constant 48 : index
      %get3A_142 = tpu.vector_load %arg6[%get3A_140, %get3A_141] {strides = array<i32>} : memref<128x512xf32, #tpu.memory_space<vmem>>, vector<16xf32>,
      %le3A_143 = arith.cmpf ole, %get3A_142, %gather3A_96 : vector<16xf32>
      %add3A_144 = arith.constant 48 : i32
      %add3A_145 = vector.broadcast %add3A_144 : i32 to vector<16xi32>
      %add3A_146 = arith.addi %iota3A, %add3A_145 : vector<16xi32>
      %swap3A_147 = arith.constant 48 : index
      %swap3A_148 = tpu.vector_load %arg9[%swap3A_147] masked %le3A_143 {strides = array<i32>} : memref<512xi32, #tpu.memory_space<vmem>>, vector<16xi32>, vector<16xi1>
      tpu.vector_store %arg9[%swap3A_147], %add3A_146 masked %le3A_143 {strides = array<i32>} : memref<512xi32, #tpu.memory_space<vmem>>, vector<16xi32>, vector<16xi1>
      %all_reduce_population_count3A_149 = tpu.all_reduce %le3A_143 {dim = 0 : i64, kind = #tpu.reduction_kind<sum>} : vector<16xi1> -> vector<16xi32>
      %eq3A_150 = arith.constant 3 : i32
      %eq3A_151 = vector.broadcast %eq3A_150 : i32 to vector<16xi32>
      %eq3A_152 = arith.cmpi eq, %iota3A, %eq3A_151 : vector<16xi32>
      %select_n3A_153 = arith.select %eq3A_152, %all_reduce_population_count3A_149, %select_n3A_139 : vector<16xi1>, vector<16xi32>
      %get3A_154 = arith.index_cast %scan3A_45 : i32 to index
      %get3A_155 = arith.constant 64 : index
      %get3A_156 = tpu.vector_load %arg6[%get3A_154, %get3A_155] {strides = array<i32>} : memref<128x512xf32, #tpu.memory_space<vmem>>, vector<16xf32>,
      %le3A_157 = arith.cmpf ole, %get3A_156, %gather3A_96 : vector<16xf32>
      %add3A_158 = arith.constant 64 : i32
      %add3A_159 = vector.broadcast %add3A_158 : i32 to vector<16xi32>
      %add3A_160 = arith.addi %iota3A, %add3A_159 : vector<16xi32>
      %swap3A_161 = arith.constant 64 : index
      %swap3A_162 = tpu.vector_load %arg9[%swap3A_161] masked %le3A_157 {strides = array<i32>} : memref<512xi32, #tpu.memory_space<vmem>>, vector<16xi32>, vector<16xi1>
      tpu.vector_store %arg9[%swap3A_161], %add3A_160 masked %le3A_157 {strides = array<i32>} : memref<512xi32, #tpu.memory_space<vmem>>, vector<16xi32>, vector<16xi1>
      %all_reduce_population_count3A_163 = tpu.all_reduce %le3A_157 {dim = 0 : i64, kind = #tpu.reduction_kind<sum>} : vector<16xi1> -> vector<16xi32>
      %eq3A_164 = arith.constant 4 : i32
      %eq3A_165 = vector.broadcast %eq3A_164 : i32 to vector<16xi32>
      %eq3A_166 = arith.cmpi eq, %iota3A, %eq3A_165 : vector<16xi32>
      %select_n3A_167 = arith.select %eq3A_166, %all_reduce_population_count3A_163, %select_n3A_153 : vector<16xi1>, vector<16xi32>
      %get3A_168 = arith.index_cast %scan3A_45 : i32 to index
      %get3A_169 = arith.constant 80 : index
      %get3A_170 = tpu.vector_load %arg6[%get3A_168, %get3A_169] {strides = array<i32>} : memref<128x512xf32, #tpu.memory_space<vmem>>, vector<16xf32>,
      %le3A_171 = arith.cmpf ole, %get3A_170, %gather3A_96 : vector<16xf32>
      %add3A_172 = arith.constant 80 : i32
      %add3A_173 = vector.broadcast %add3A_172 : i32 to vector<16xi32>
      %add3A_174 = arith.addi %iota3A, %add3A_173 : vector<16xi32>
      %swap3A_175 = arith.constant 80 : index
      %swap3A_176 = tpu.vector_load %arg9[%swap3A_175] masked %le3A_171 {strides = array<i32>} : memref<512xi32, #tpu.memory_space<vmem>>, vector<16xi32>, vector<16xi1>
      tpu.vector_store %arg9[%swap3A_175], %add3A_174 masked %le3A_171 {strides = array<i32>} : memref<512xi32, #tpu.memory_space<vmem>>, vector<16xi32>, vector<16xi1>
      %all_reduce_population_count3A_177 = tpu.all_reduce %le3A_171 {dim = 0 : i64, kind = #tpu.reduction_kind<sum>} : vector<16xi1> -> vector<16xi32>
      %eq3A_178 = arith.constant 5 : i32
      %eq3A_179 = vector.broadcast %eq3A_178 : i32 to vector<16xi32>
      %eq3A_180 = arith.cmpi eq, %iota3A, %eq3A_179 : vector<16xi32>
      %select_n3A_181 = arith.select %eq3A_180, %all_reduce_population_count3A_177, %select_n3A_167 : vector<16xi1>, vector<16xi32>
      %get3A_182 = arith.index_cast %scan3A_45 : i32 to index
      %get3A_183 = arith.constant 96 : index
      %get3A_184 = tpu.vector_load %arg6[%get3A_182, %get3A_183] {strides = array<i32>} : memref<128x512xf32, #tpu.memory_space<vmem>>, vector<16xf32>,
      %le3A_185 = arith.cmpf ole, %get3A_184, %gather3A_96 : vector<16xf32>
      %add3A_186 = arith.constant 96 : i32
      %add3A_187 = vector.broadcast %add3A_186 : i32 to vector<16xi32>
      %add3A_188 = arith.addi %iota3A, %add3A_187 : vector<16xi32>
      %swap3A_189 = arith.constant 96 : index
      %swap3A_190 = tpu.vector_load %arg9[%swap3A_189] masked %le3A_185 {strides = array<i32>} : memref<512xi32, #tpu.memory_space<vmem>>, vector<16xi32>, vector<16xi1>
      tpu.vector_store %arg9[%swap3A_189], %add3A_188 masked %le3A_185 {strides = array<i32>} : memref<512xi32, #tpu.memory_space<vmem>>, vector<16xi32>, vector<16xi1>
      %all_reduce_population_count3A_191 = tpu.all_reduce %le3A_185 {dim = 0 : i64, kind = #tpu.reduction_kind<sum>} : vector<16xi1> -> vector<16xi32>
      %eq3A_192 = arith.constant 6 : i32
      %eq3A_193 = vector.broadcast %eq3A_192 : i32 to vector<16xi32>
      %eq3A_194 = arith.cmpi eq, %iota3A, %eq3A_193 : vector<16xi32>
      %select_n3A_195 = arith.select %eq3A_194, %all_reduce_population_count3A_191, %select_n3A_181 : vector<16xi1>, vector<16xi32>
      %get3A_196 = arith.index_cast %scan3A_45 : i32 to index
      %get3A_197 = arith.constant 112 : index
      %get3A_198 = tpu.vector_load %arg6[%get3A_196, %get3A_197] {strides = array<i32>} : memref<128x512xf32, #tpu.memory_space<vmem>>, vector<16xf32>,
      %le3A_199 = arith.cmpf ole, %get3A_198, %gather3A_96 : vector<16xf32>
      %add3A_200 = arith.constant 112 : i32
      %add3A_201 = vector.broadcast %add3A_200 : i32 to vector<16xi32>
      %add3A_202 = arith.addi %iota3A, %add3A_201 : vector<16xi32>
      %swap3A_203 = arith.constant 112 : index
      %swap3A_204 = tpu.vector_load %arg9[%swap3A_203] masked %le3A_199 {strides = array<i32>} : memref<512xi32, #tpu.memory_space<vmem>>, vector<16xi32>, vector<16xi1>
      tpu.vector_store %arg9[%swap3A_203], %add3A_202 masked %le3A_199 {strides = array<i32>} : memref<512xi32, #tpu.memory_space<vmem>>, vector<16xi32>, vector<16xi1>
      %all_reduce_population_count3A_205 = tpu.all_reduce %le3A_199 {dim = 0 : i64, kind = #tpu.reduction_kind<sum>} : vector<16xi1> -> vector<16xi32>
      %eq3A_206 = arith.constant 7 : i32
      %eq3A_207 = vector.broadcast %eq3A_206 : i32 to vector<16xi32>
      %eq3A_208 = arith.cmpi eq, %iota3A, %eq3A_207 : vector<16xi32>
      %select_n3A_209 = arith.select %eq3A_208, %all_reduce_population_count3A_205, %select_n3A_195 : vector<16xi1>, vector<16xi32>
      %get3A_210 = arith.index_cast %scan3A_45 : i32 to index
      %get3A_211 = arith.constant 128 : index
      %get3A_212 = tpu.vector_load %arg6[%get3A_210, %get3A_211] {strides = array<i32>} : memref<128x512xf32, #tpu.memory_space<vmem>>, vector<16xf32>,
      %le3A_213 = arith.cmpf ole, %get3A_212, %gather3A_96 : vector<16xf32>
      %add3A_214 = arith.constant 128 : i32
      %add3A_215 = vector.broadcast %add3A_214 : i32 to vector<16xi32>
      %add3A_216 = arith.addi %iota3A, %add3A_215 : vector<16xi32>
      %swap3A_217 = arith.constant 128 : index
      %swap3A_218 = tpu.vector_load %arg9[%swap3A_217] masked %le3A_213 {strides = array<i32>} : memref<512xi32, #tpu.memory_space<vmem>>, vector<16xi32>, vector<16xi1>
      tpu.vector_store %arg9[%swap3A_217], %add3A_216 masked %le3A_213 {strides = array<i32>} : memref<512xi32, #tpu.memory_space<vmem>>, vector<16xi32>, vector<16xi1>
      %all_reduce_population_count3A_219 = tpu.all_reduce %le3A_213 {dim = 0 : i64, kind = #tpu.reduction_kind<sum>} : vector<16xi1> -> vector<16xi32>
      %eq3A_220 = arith.constant 8 : i32
      %eq3A_221 = vector.broadcast %eq3A_220 : i32 to vector<16xi32>
      %eq3A_222 = arith.cmpi eq, %iota3A, %eq3A_221 : vector<16xi32>
      %select_n3A_223 = arith.select %eq3A_222, %all_reduce_population_count3A_219, %select_n3A_209 : vector<16xi1>, vector<16xi32>
      %get3A_224 = arith.index_cast %scan3A_45 : i32 to index
      %get3A_225 = arith.constant 144 : index
      %get3A_226 = tpu.vector_load %arg6[%get3A_224, %get3A_225] {strides = array<i32>} : memref<128x512xf32, #tpu.memory_space<vmem>>, vector<16xf32>,
      %le3A_227 = arith.cmpf ole, %get3A_226, %gather3A_96 : vector<16xf32>
      %add3A_228 = arith.constant 144 : i32
      %add3A_229 = vector.broadcast %add3A_228 : i32 to vector<16xi32>
      %add3A_230 = arith.addi %iota3A, %add3A_229 : vector<16xi32>
      %swap3A_231 = arith.constant 144 : index
      %swap3A_232 = tpu.vector_load %arg9[%swap3A_231] masked %le3A_227 {strides = array<i32>} : memref<512xi32, #tpu.memory_space<vmem>>, vector<16xi32>, vector<16xi1>
      tpu.vector_store %arg9[%swap3A_231], %add3A_230 masked %le3A_227 {strides = array<i32>} : memref<512xi32, #tpu.memory_space<vmem>>, vector<16xi32>, vector<16xi1>
      %all_reduce_population_count3A_233 = tpu.all_reduce %le3A_227 {dim = 0 : i64, kind = #tpu.reduction_kind<sum>} : vector<16xi1> -> vector<16xi32>
      %eq3A_234 = arith.constant 9 : i32
      %eq3A_235 = vector.broadcast %eq3A_234 : i32 to vector<16xi32>
      %eq3A_236 = arith.cmpi eq, %iota3A, %eq3A_235 : vector<16xi32>
      %select_n3A_237 = arith.select %eq3A_236, %all_reduce_population_count3A_233, %select_n3A_223 : vector<16xi1>, vector<16xi32>
      %get3A_238 = arith.index_cast %scan3A_45 : i32 to index
      %get3A_239 = arith.constant 160 : index
      %get3A_240 = tpu.vector_load %arg6[%get3A_238, %get3A_239] {strides = array<i32>} : memref<128x512xf32, #tpu.memory_space<vmem>>, vector<16xf32>,
      %le3A_241 = arith.cmpf ole, %get3A_240, %gather3A_96 : vector<16xf32>
      %add3A_242 = arith.constant 160 : i32
      %add3A_243 = vector.broadcast %add3A_242 : i32 to vector<16xi32>
      %add3A_244 = arith.addi %iota3A, %add3A_243 : vector<16xi32>
      %swap3A_245 = arith.constant 160 : index
      %swap3A_246 = tpu.vector_load %arg9[%swap3A_245] masked %le3A_241 {strides = array<i32>} : memref<512xi32, #tpu.memory_space<vmem>>, vector<16xi32>, vector<16xi1>
      tpu.vector_store %arg9[%swap3A_245], %add3A_244 masked %le3A_241 {strides = array<i32>} : memref<512xi32, #tpu.memory_space<vmem>>, vector<16xi32>, vector<16xi1>
      %all_reduce_population_count3A_247 = tpu.all_reduce %le3A_241 {dim = 0 : i64, kind = #tpu.reduction_kind<sum>} : vector<16xi1> -> vector<16xi32>
      %eq3A_248 = arith.constant 10 : i32
      %eq3A_249 = vector.broadcast %eq3A_248 : i32 to vector<16xi32>
      %eq3A_250 = arith.cmpi eq, %iota3A, %eq3A_249 : vector<16xi32>
      %select_n3A_251 = arith.select %eq3A_250, %all_reduce_population_count3A_247, %select_n3A_237 : vector<16xi1>, vector<16xi32>
      %get3A_252 = arith.index_cast %scan3A_45 : i32 to index
      %get3A_253 = arith.constant 176 : index
      %get3A_254 = tpu.vector_load %arg6[%get3A_252, %get3A_253] {strides = array<i32>} : memref<128x512xf32, #tpu.memory_space<vmem>>, vector<16xf32>,
      %le3A_255 = arith.cmpf ole, %get3A_254, %gather3A_96 : vector<16xf32>
      %add3A_256 = arith.constant 176 : i32
      %add3A_257 = vector.broadcast %add3A_256 : i32 to vector<16xi32>
      %add3A_258 = arith.addi %iota3A, %add3A_257 : vector<16xi32>
      %swap3A_259 = arith.constant 176 : index
      %swap3A_260 = tpu.vector_load %arg9[%swap3A_259] masked %le3A_255 {strides = array<i32>} : memref<512xi32, #tpu.memory_space<vmem>>, vector<16xi32>, vector<16xi1>
      tpu.vector_store %arg9[%swap3A_259], %add3A_258 masked %le3A_255 {strides = array<i32>} : memref<512xi32, #tpu.memory_space<vmem>>, vector<16xi32>, vector<16xi1>
      %all_reduce_population_count3A_261 = tpu.all_reduce %le3A_255 {dim = 0 : i64, kind = #tpu.reduction_kind<sum>} : vector<16xi1> -> vector<16xi32>
      %eq3A_262 = arith.constant 11 : i32
      %eq3A_263 = vector.broadcast %eq3A_262 : i32 to vector<16xi32>
      %eq3A_264 = arith.cmpi eq, %iota3A, %eq3A_263 : vector<16xi32>
      %select_n3A_265 = arith.select %eq3A_264, %all_reduce_population_count3A_261, %select_n3A_251 : vector<16xi1>, vector<16xi32>
      %get3A_266 = arith.index_cast %scan3A_45 : i32 to index
      %get3A_267 = arith.constant 192 : index
      %get3A_268 = tpu.vector_load %arg6[%get3A_266, %get3A_267] {strides = array<i32>} : memref<128x512xf32, #tpu.memory_space<vmem>>, vector<16xf32>,
      %le3A_269 = arith.cmpf ole, %get3A_268, %gather3A_96 : vector<16xf32>
      %add3A_270 = arith.constant 192 : i32
      %add3A_271 = vector.broadcast %add3A_270 : i32 to vector<16xi32>
      %add3A_272 = arith.addi %iota3A, %add3A_271 : vector<16xi32>
      %swap3A_273 = arith.constant 192 : index
      %swap3A_274 = tpu.vector_load %arg9[%swap3A_273] masked %le3A_269 {strides = array<i32>} : memref<512xi32, #tpu.memory_space<vmem>>, vector<16xi32>, vector<16xi1>
      tpu.vector_store %arg9[%swap3A_273], %add3A_272 masked %le3A_269 {strides = array<i32>} : memref<512xi32, #tpu.memory_space<vmem>>, vector<16xi32>, vector<16xi1>
      %all_reduce_population_count3A_275 = tpu.all_reduce %le3A_269 {dim = 0 : i64, kind = #tpu.reduction_kind<sum>} : vector<16xi1> -> vector<16xi32>
      %eq3A_276 = arith.constant 12 : i32
      %eq3A_277 = vector.broadcast %eq3A_276 : i32 to vector<16xi32>
      %eq3A_278 = arith.cmpi eq, %iota3A, %eq3A_277 : vector<16xi32>
      %select_n3A_279 = arith.select %eq3A_278, %all_reduce_population_count3A_275, %select_n3A_265 : vector<16xi1>, vector<16xi32>
      %get3A_280 = arith.index_cast %scan3A_45 : i32 to index
      %get3A_281 = arith.constant 208 : index
      %get3A_282 = tpu.vector_load %arg6[%get3A_280, %get3A_281] {strides = array<i32>} : memref<128x512xf32, #tpu.memory_space<vmem>>, vector<16xf32>,
      %le3A_283 = arith.cmpf ole, %get3A_282, %gather3A_96 : vector<16xf32>
      %add3A_284 = arith.constant 208 : i32
      %add3A_285 = vector.broadcast %add3A_284 : i32 to vector<16xi32>
      %add3A_286 = arith.addi %iota3A, %add3A_285 : vector<16xi32>
      %swap3A_287 = arith.constant 208 : index
      %swap3A_288 = tpu.vector_load %arg9[%swap3A_287] masked %le3A_283 {strides = array<i32>} : memref<512xi32, #tpu.memory_space<vmem>>, vector<16xi32>, vector<16xi1>
      tpu.vector_store %arg9[%swap3A_287], %add3A_286 masked %le3A_283 {strides = array<i32>} : memref<512xi32, #tpu.memory_space<vmem>>, vector<16xi32>, vector<16xi1>
      %all_reduce_population_count3A_289 = tpu.all_reduce %le3A_283 {dim = 0 : i64, kind = #tpu.reduction_kind<sum>} : vector<16xi1> -> vector<16xi32>
      %eq3A_290 = arith.constant 13 : i32
      %eq3A_291 = vector.broadcast %eq3A_290 : i32 to vector<16xi32>
      %eq3A_292 = arith.cmpi eq, %iota3A, %eq3A_291 : vector<16xi32>
      %select_n3A_293 = arith.select %eq3A_292, %all_reduce_population_count3A_289, %select_n3A_279 : vector<16xi1>, vector<16xi32>
      %get3A_294 = arith.index_cast %scan3A_45 : i32 to index
      %get3A_295 = arith.constant 224 : index
      %get3A_296 = tpu.vector_load %arg6[%get3A_294, %get3A_295] {strides = array<i32>} : memref<128x512xf32, #tpu.memory_space<vmem>>, vector<16xf32>,
      %le3A_297 = arith.cmpf ole, %get3A_296, %gather3A_96 : vector<16xf32>
      %add3A_298 = arith.constant 224 : i32
      %add3A_299 = vector.broadcast %add3A_298 : i32 to vector<16xi32>
      %add3A_300 = arith.addi %iota3A, %add3A_299 : vector<16xi32>
      %swap3A_301 = arith.constant 224 : index
      %swap3A_302 = tpu.vector_load %arg9[%swap3A_301] masked %le3A_297 {strides = array<i32>} : memref<512xi32, #tpu.memory_space<vmem>>, vector<16xi32>, vector<16xi1>
      tpu.vector_store %arg9[%swap3A_301], %add3A_300 masked %le3A_297 {strides = array<i32>} : memref<512xi32, #tpu.memory_space<vmem>>, vector<16xi32>, vector<16xi1>
      %all_reduce_population_count3A_303 = tpu.all_reduce %le3A_297 {dim = 0 : i64, kind = #tpu.reduction_kind<sum>} : vector<16xi1> -> vector<16xi32>
      %eq3A_304 = arith.constant 14 : i32
      %eq3A_305 = vector.broadcast %eq3A_304 : i32 to vector<16xi32>
      %eq3A_306 = arith.cmpi eq, %iota3A, %eq3A_305 : vector<16xi32>
      %select_n3A_307 = arith.select %eq3A_306, %all_reduce_population_count3A_303, %select_n3A_293 : vector<16xi1>, vector<16xi32>
      %get3A_308 = arith.index_cast %scan3A_45 : i32 to index
      %get3A_309 = arith.constant 240 : index
      %get3A_310 = tpu.vector_load %arg6[%get3A_308, %get3A_309] {strides = array<i32>} : memref<128x512xf32, #tpu.memory_space<vmem>>, vector<16xf32>,
      %le3A_311 = arith.cmpf ole, %get3A_310, %gather3A_96 : vector<16xf32>
      %add3A_312 = arith.constant 240 : i32
      %add3A_313 = vector.broadcast %add3A_312 : i32 to vector<16xi32>
      %add3A_314 = arith.addi %iota3A, %add3A_313 : vector<16xi32>
      %swap3A_315 = arith.constant 240 : index
      %swap3A_316 = tpu.vector_load %arg9[%swap3A_315] masked %le3A_311 {strides = array<i32>} : memref<512xi32, #tpu.memory_space<vmem>>, vector<16xi32>, vector<16xi1>
      tpu.vector_store %arg9[%swap3A_315], %add3A_314 masked %le3A_311 {strides = array<i32>} : memref<512xi32, #tpu.memory_space<vmem>>, vector<16xi32>, vector<16xi1>
      %all_reduce_population_count3A_317 = tpu.all_reduce %le3A_311 {dim = 0 : i64, kind = #tpu.reduction_kind<sum>} : vector<16xi1> -> vector<16xi32>
      %eq3A_318 = arith.constant 15 : i32
      %eq3A_319 = vector.broadcast %eq3A_318 : i32 to vector<16xi32>
      %eq3A_320 = arith.cmpi eq, %iota3A, %eq3A_319 : vector<16xi32>
      %select_n3A_321 = arith.select %eq3A_320, %all_reduce_population_count3A_317, %select_n3A_307 : vector<16xi1>, vector<16xi32>
      %get3A_322 = arith.index_cast %scan3A_45 : i32 to index
      %get3A_323 = arith.constant 256 : index
      %get3A_324 = tpu.vector_load %arg6[%get3A_322, %get3A_323] {strides = array<i32>} : memref<128x512xf32, #tpu.memory_space<vmem>>, vector<16xf32>,
      %le3A_325 = arith.cmpf ole, %get3A_324, %gather3A_96 : vector<16xf32>
      %add3A_326 = arith.constant 256 : i32
      %add3A_327 = vector.broadcast %add3A_326 : i32 to vector<16xi32>
      %add3A_328 = arith.addi %iota3A, %add3A_327 : vector<16xi32>
      %swap3A_329 = arith.constant 256 : index
      %swap3A_330 = tpu.vector_load %arg9[%swap3A_329] masked %le3A_325 {strides = array<i32>} : memref<512xi32, #tpu.memory_space<vmem>>, vector<16xi32>, vector<16xi1>
      tpu.vector_store %arg9[%swap3A_329], %add3A_328 masked %le3A_325 {strides = array<i32>} : memref<512xi32, #tpu.memory_space<vmem>>, vector<16xi32>, vector<16xi1>
      %all_reduce_population_count3A_331 = tpu.all_reduce %le3A_325 {dim = 0 : i64, kind = #tpu.reduction_kind<sum>} : vector<16xi1> -> vector<16xi32>
      %eq3A_332 = arith.constant 0 : i32
      %eq3A_333 = vector.broadcast %eq3A_332 : i32 to vector<16xi32>
      %eq3A_334 = arith.cmpi eq, %iota3A, %eq3A_333 : vector<16xi32>
      %select_n3A_335 = arith.select %eq3A_334, %all_reduce_population_count3A_331, %broadcast_in_dim3A_100 : vector<16xi1>, vector<16xi32>
      %get3A_336 = arith.index_cast %scan3A_45 : i32 to index
      %get3A_337 = arith.constant 272 : index
      %get3A_338 = tpu.vector_load %arg6[%get3A_336, %get3A_337] {strides = array<i32>} : memref<128x512xf32, #tpu.memory_space<vmem>>, vector<16xf32>,
      %le3A_339 = arith.cmpf ole, %get3A_338, %gather3A_96 : vector<16xf32>
      %add3A_340 = arith.constant 272 : i32
      %add3A_341 = vector.broadcast %add3A_340 : i32 to vector<16xi32>
      %add3A_342 = arith.addi %iota3A, %add3A_341 : vector<16xi32>
      %swap3A_343 = arith.constant 272 : index
      %swap3A_344 = tpu.vector_load %arg9[%swap3A_343] masked %le3A_339 {strides = array<i32>} : memref<512xi32, #tpu.memory_space<vmem>>, vector<16xi32>, vector<16xi1>
      tpu.vector_store %arg9[%swap3A_343], %add3A_342 masked %le3A_339 {strides = array<i32>} : memref<512xi32, #tpu.memory_space<vmem>>, vector<16xi32>, vector<16xi1>
      %all_reduce_population_count3A_345 = tpu.all_reduce %le3A_339 {dim = 0 : i64, kind = #tpu.reduction_kind<sum>} : vector<16xi1> -> vector<16xi32>
      %eq3A_346 = arith.constant 1 : i32
      %eq3A_347 = vector.broadcast %eq3A_346 : i32 to vector<16xi32>
      %eq3A_348 = arith.cmpi eq, %iota3A, %eq3A_347 : vector<16xi32>
      %select_n3A_349 = arith.select %eq3A_348, %all_reduce_population_count3A_345, %select_n3A_335 : vector<16xi1>, vector<16xi32>
      %get3A_350 = arith.index_cast %scan3A_45 : i32 to index
      %get3A_351 = arith.constant 288 : index
      %get3A_352 = tpu.vector_load %arg6[%get3A_350, %get3A_351] {strides = array<i32>} : memref<128x512xf32, #tpu.memory_space<vmem>>, vector<16xf32>,
      %le3A_353 = arith.cmpf ole, %get3A_352, %gather3A_96 : vector<16xf32>
      %add3A_354 = arith.constant 288 : i32
      %add3A_355 = vector.broadcast %add3A_354 : i32 to vector<16xi32>
      %add3A_356 = arith.addi %iota3A, %add3A_355 : vector<16xi32>
      %swap3A_357 = arith.constant 288 : index
      %swap3A_358 = tpu.vector_load %arg9[%swap3A_357] masked %le3A_353 {strides = array<i32>} : memref<512xi32, #tpu.memory_space<vmem>>, vector<16xi32>, vector<16xi1>
      tpu.vector_store %arg9[%swap3A_357], %add3A_356 masked %le3A_353 {strides = array<i32>} : memref<512xi32, #tpu.memory_space<vmem>>, vector<16xi32>, vector<16xi1>
      %all_reduce_population_count3A_359 = tpu.all_reduce %le3A_353 {dim = 0 : i64, kind = #tpu.reduction_kind<sum>} : vector<16xi1> -> vector<16xi32>
      %eq3A_360 = arith.constant 2 : i32
      %eq3A_361 = vector.broadcast %eq3A_360 : i32 to vector<16xi32>
      %eq3A_362 = arith.cmpi eq, %iota3A, %eq3A_361 : vector<16xi32>
      %select_n3A_363 = arith.select %eq3A_362, %all_reduce_population_count3A_359, %select_n3A_349 : vector<16xi1>, vector<16xi32>
      %get3A_364 = arith.index_cast %scan3A_45 : i32 to index
      %get3A_365 = arith.constant 304 : index
      %get3A_366 = tpu.vector_load %arg6[%get3A_364, %get3A_365] {strides = array<i32>} : memref<128x512xf32, #tpu.memory_space<vmem>>, vector<16xf32>,
      %le3A_367 = arith.cmpf ole, %get3A_366, %gather3A_96 : vector<16xf32>
      %add3A_368 = arith.constant 304 : i32
      %add3A_369 = vector.broadcast %add3A_368 : i32 to vector<16xi32>
      %add3A_370 = arith.addi %iota3A, %add3A_369 : vector<16xi32>
      %swap3A_371 = arith.constant 304 : index
      %swap3A_372 = tpu.vector_load %arg9[%swap3A_371] masked %le3A_367 {strides = array<i32>} : memref<512xi32, #tpu.memory_space<vmem>>, vector<16xi32>, vector<16xi1>
      tpu.vector_store %arg9[%swap3A_371], %add3A_370 masked %le3A_367 {strides = array<i32>} : memref<512xi32, #tpu.memory_space<vmem>>, vector<16xi32>, vector<16xi1>
      %all_reduce_population_count3A_373 = tpu.all_reduce %le3A_367 {dim = 0 : i64, kind = #tpu.reduction_kind<sum>} : vector<16xi1> -> vector<16xi32>
      %eq3A_374 = arith.constant 3 : i32
      %eq3A_375 = vector.broadcast %eq3A_374 : i32 to vector<16xi32>
      %eq3A_376 = arith.cmpi eq, %iota3A, %eq3A_375 : vector<16xi32>
      %select_n3A_377 = arith.select %eq3A_376, %all_reduce_population_count3A_373, %select_n3A_363 : vector<16xi1>, vector<16xi32>
      %get3A_378 = arith.index_cast %scan3A_45 : i32 to index
      %get3A_379 = arith.constant 320 : index
      %get3A_380 = tpu.vector_load %arg6[%get3A_378, %get3A_379] {strides = array<i32>} : memref<128x512xf32, #tpu.memory_space<vmem>>, vector<16xf32>,
      %le3A_381 = arith.cmpf ole, %get3A_380, %gather3A_96 : vector<16xf32>
      %add3A_382 = arith.constant 320 : i32
      %add3A_383 = vector.broadcast %add3A_382 : i32 to vector<16xi32>
      %add3A_384 = arith.addi %iota3A, %add3A_383 : vector<16xi32>
      %swap3A_385 = arith.constant 320 : index
      %swap3A_386 = tpu.vector_load %arg9[%swap3A_385] masked %le3A_381 {strides = array<i32>} : memref<512xi32, #tpu.memory_space<vmem>>, vector<16xi32>, vector<16xi1>
      tpu.vector_store %arg9[%swap3A_385], %add3A_384 masked %le3A_381 {strides = array<i32>} : memref<512xi32, #tpu.memory_space<vmem>>, vector<16xi32>, vector<16xi1>
      %all_reduce_population_count3A_387 = tpu.all_reduce %le3A_381 {dim = 0 : i64, kind = #tpu.reduction_kind<sum>} : vector<16xi1> -> vector<16xi32>
      %eq3A_388 = arith.constant 4 : i32
      %eq3A_389 = vector.broadcast %eq3A_388 : i32 to vector<16xi32>
      %eq3A_390 = arith.cmpi eq, %iota3A, %eq3A_389 : vector<16xi32>
      %select_n3A_391 = arith.select %eq3A_390, %all_reduce_population_count3A_387, %select_n3A_377 : vector<16xi1>, vector<16xi32>
      %get3A_392 = arith.index_cast %scan3A_45 : i32 to index
      %get3A_393 = arith.constant 336 : index
      %get3A_394 = tpu.vector_load %arg6[%get3A_392, %get3A_393] {strides = array<i32>} : memref<128x512xf32, #tpu.memory_space<vmem>>, vector<16xf32>,
      %le3A_395 = arith.cmpf ole, %get3A_394, %gather3A_96 : vector<16xf32>
      %add3A_396 = arith.constant 336 : i32
      %add3A_397 = vector.broadcast %add3A_396 : i32 to vector<16xi32>
      %add3A_398 = arith.addi %iota3A, %add3A_397 : vector<16xi32>
      %swap3A_399 = arith.constant 336 : index
      %swap3A_400 = tpu.vector_load %arg9[%swap3A_399] masked %le3A_395 {strides = array<i32>} : memref<512xi32, #tpu.memory_space<vmem>>, vector<16xi32>, vector<16xi1>
      tpu.vector_store %arg9[%swap3A_399], %add3A_398 masked %le3A_395 {strides = array<i32>} : memref<512xi32, #tpu.memory_space<vmem>>, vector<16xi32>, vector<16xi1>
      %all_reduce_population_count3A_401 = tpu.all_reduce %le3A_395 {dim = 0 : i64, kind = #tpu.reduction_kind<sum>} : vector<16xi1> -> vector<16xi32>
      %eq3A_402 = arith.constant 5 : i32
      %eq3A_403 = vector.broadcast %eq3A_402 : i32 to vector<16xi32>
      %eq3A_404 = arith.cmpi eq, %iota3A, %eq3A_403 : vector<16xi32>
      %select_n3A_405 = arith.select %eq3A_404, %all_reduce_population_count3A_401, %select_n3A_391 : vector<16xi1>, vector<16xi32>
      %get3A_406 = arith.index_cast %scan3A_45 : i32 to index
      %get3A_407 = arith.constant 352 : index
      %get3A_408 = tpu.vector_load %arg6[%get3A_406, %get3A_407] {strides = array<i32>} : memref<128x512xf32, #tpu.memory_space<vmem>>, vector<16xf32>,
      %le3A_409 = arith.cmpf ole, %get3A_408, %gather3A_96 : vector<16xf32>
      %add3A_410 = arith.constant 352 : i32
      %add3A_411 = vector.broadcast %add3A_410 : i32 to vector<16xi32>
      %add3A_412 = arith.addi %iota3A, %add3A_411 : vector<16xi32>
      %swap3A_413 = arith.constant 352 : index
      %swap3A_414 = tpu.vector_load %arg9[%swap3A_413] masked %le3A_409 {strides = array<i32>} : memref<512xi32, #tpu.memory_space<vmem>>, vector<16xi32>, vector<16xi1>
      tpu.vector_store %arg9[%swap3A_413], %add3A_412 masked %le3A_409 {strides = array<i32>} : memref<512xi32, #tpu.memory_space<vmem>>, vector<16xi32>, vector<16xi1>
      %all_reduce_population_count3A_415 = tpu.all_reduce %le3A_409 {dim = 0 : i64, kind = #tpu.reduction_kind<sum>} : vector<16xi1> -> vector<16xi32>
      %eq3A_416 = arith.constant 6 : i32
      %eq3A_417 = vector.broadcast %eq3A_416 : i32 to vector<16xi32>
      %eq3A_418 = arith.cmpi eq, %iota3A, %eq3A_417 : vector<16xi32>
      %select_n3A_419 = arith.select %eq3A_418, %all_reduce_population_count3A_415, %select_n3A_405 : vector<16xi1>, vector<16xi32>
      %get3A_420 = arith.index_cast %scan3A_45 : i32 to index
      %get3A_421 = arith.constant 368 : index
      %get3A_422 = tpu.vector_load %arg6[%get3A_420, %get3A_421] {strides = array<i32>} : memref<128x512xf32, #tpu.memory_space<vmem>>, vector<16xf32>,
      %le3A_423 = arith.cmpf ole, %get3A_422, %gather3A_96 : vector<16xf32>
      %add3A_424 = arith.constant 368 : i32
      %add3A_425 = vector.broadcast %add3A_424 : i32 to vector<16xi32>
      %add3A_426 = arith.addi %iota3A, %add3A_425 : vector<16xi32>
      %swap3A_427 = arith.constant 368 : index
      %swap3A_428 = tpu.vector_load %arg9[%swap3A_427] masked %le3A_423 {strides = array<i32>} : memref<512xi32, #tpu.memory_space<vmem>>, vector<16xi32>, vector<16xi1>
      tpu.vector_store %arg9[%swap3A_427], %add3A_426 masked %le3A_423 {strides = array<i32>} : memref<512xi32, #tpu.memory_space<vmem>>, vector<16xi32>, vector<16xi1>
      %all_reduce_population_count3A_429 = tpu.all_reduce %le3A_423 {dim = 0 : i64, kind = #tpu.reduction_kind<sum>} : vector<16xi1> -> vector<16xi32>
      %eq3A_430 = arith.constant 7 : i32
      %eq3A_431 = vector.broadcast %eq3A_430 : i32 to vector<16xi32>
      %eq3A_432 = arith.cmpi eq, %iota3A, %eq3A_431 : vector<16xi32>
      %select_n3A_433 = arith.select %eq3A_432, %all_reduce_population_count3A_429, %select_n3A_419 : vector<16xi1>, vector<16xi32>
      %get3A_434 = arith.index_cast %scan3A_45 : i32 to index
      %get3A_435 = arith.constant 384 : index
      %get3A_436 = tpu.vector_load %arg6[%get3A_434, %get3A_435] {strides = array<i32>} : memref<128x512xf32, #tpu.memory_space<vmem>>, vector<16xf32>,
      %le3A_437 = arith.cmpf ole, %get3A_436, %gather3A_96 : vector<16xf32>
      %add3A_438 = arith.constant 384 : i32
      %add3A_439 = vector.broadcast %add3A_438 : i32 to vector<16xi32>
      %add3A_440 = arith.addi %iota3A, %add3A_439 : vector<16xi32>
      %swap3A_441 = arith.constant 384 : index
      %swap3A_442 = tpu.vector_load %arg9[%swap3A_441] masked %le3A_437 {strides = array<i32>} : memref<512xi32, #tpu.memory_space<vmem>>, vector<16xi32>, vector<16xi1>
      tpu.vector_store %arg9[%swap3A_441], %add3A_440 masked %le3A_437 {strides = array<i32>} : memref<512xi32, #tpu.memory_space<vmem>>, vector<16xi32>, vector<16xi1>
      %all_reduce_population_count3A_443 = tpu.all_reduce %le3A_437 {dim = 0 : i64, kind = #tpu.reduction_kind<sum>} : vector<16xi1> -> vector<16xi32>
      %eq3A_444 = arith.constant 8 : i32
      %eq3A_445 = vector.broadcast %eq3A_444 : i32 to vector<16xi32>
      %eq3A_446 = arith.cmpi eq, %iota3A, %eq3A_445 : vector<16xi32>
      %select_n3A_447 = arith.select %eq3A_446, %all_reduce_population_count3A_443, %select_n3A_433 : vector<16xi1>, vector<16xi32>
      %get3A_448 = arith.index_cast %scan3A_45 : i32 to index
      %get3A_449 = arith.constant 400 : index
      %get3A_450 = tpu.vector_load %arg6[%get3A_448, %get3A_449] {strides = array<i32>} : memref<128x512xf32, #tpu.memory_space<vmem>>, vector<16xf32>,
      %le3A_451 = arith.cmpf ole, %get3A_450, %gather3A_96 : vector<16xf32>
      %add3A_452 = arith.constant 400 : i32
      %add3A_453 = vector.broadcast %add3A_452 : i32 to vector<16xi32>
      %add3A_454 = arith.addi %iota3A, %add3A_453 : vector<16xi32>
      %swap3A_455 = arith.constant 400 : index
      %swap3A_456 = tpu.vector_load %arg9[%swap3A_455] masked %le3A_451 {strides = array<i32>} : memref<512xi32, #tpu.memory_space<vmem>>, vector<16xi32>, vector<16xi1>
      tpu.vector_store %arg9[%swap3A_455], %add3A_454 masked %le3A_451 {strides = array<i32>} : memref<512xi32, #tpu.memory_space<vmem>>, vector<16xi32>, vector<16xi1>
      %all_reduce_population_count3A_457 = tpu.all_reduce %le3A_451 {dim = 0 : i64, kind = #tpu.reduction_kind<sum>} : vector<16xi1> -> vector<16xi32>
      %eq3A_458 = arith.constant 9 : i32
      %eq3A_459 = vector.broadcast %eq3A_458 : i32 to vector<16xi32>
      %eq3A_460 = arith.cmpi eq, %iota3A, %eq3A_459 : vector<16xi32>
      %select_n3A_461 = arith.select %eq3A_460, %all_reduce_population_count3A_457, %select_n3A_447 : vector<16xi1>, vector<16xi32>
      %get3A_462 = arith.index_cast %scan3A_45 : i32 to index
      %get3A_463 = arith.constant 416 : index
      %get3A_464 = tpu.vector_load %arg6[%get3A_462, %get3A_463] {strides = array<i32>} : memref<128x512xf32, #tpu.memory_space<vmem>>, vector<16xf32>,
      %le3A_465 = arith.cmpf ole, %get3A_464, %gather3A_96 : vector<16xf32>
      %add3A_466 = arith.constant 416 : i32
      %add3A_467 = vector.broadcast %add3A_466 : i32 to vector<16xi32>
      %add3A_468 = arith.addi %iota3A, %add3A_467 : vector<16xi32>
      %swap3A_469 = arith.constant 416 : index
      %swap3A_470 = tpu.vector_load %arg9[%swap3A_469] masked %le3A_465 {strides = array<i32>} : memref<512xi32, #tpu.memory_space<vmem>>, vector<16xi32>, vector<16xi1>
      tpu.vector_store %arg9[%swap3A_469], %add3A_468 masked %le3A_465 {strides = array<i32>} : memref<512xi32, #tpu.memory_space<vmem>>, vector<16xi32>, vector<16xi1>
      %all_reduce_population_count3A_471 = tpu.all_reduce %le3A_465 {dim = 0 : i64, kind = #tpu.reduction_kind<sum>} : vector<16xi1> -> vector<16xi32>
      %eq3A_472 = arith.constant 10 : i32
      %eq3A_473 = vector.broadcast %eq3A_472 : i32 to vector<16xi32>
      %eq3A_474 = arith.cmpi eq, %iota3A, %eq3A_473 : vector<16xi32>
      %select_n3A_475 = arith.select %eq3A_474, %all_reduce_population_count3A_471, %select_n3A_461 : vector<16xi1>, vector<16xi32>
      %get3A_476 = arith.index_cast %scan3A_45 : i32 to index
      %get3A_477 = arith.constant 432 : index
      %get3A_478 = tpu.vector_load %arg6[%get3A_476, %get3A_477] {strides = array<i32>} : memref<128x512xf32, #tpu.memory_space<vmem>>, vector<16xf32>,
      %le3A_479 = arith.cmpf ole, %get3A_478, %gather3A_96 : vector<16xf32>
      %add3A_480 = arith.constant 432 : i32
      %add3A_481 = vector.broadcast %add3A_480 : i32 to vector<16xi32>
      %add3A_482 = arith.addi %iota3A, %add3A_481 : vector<16xi32>
      %swap3A_483 = arith.constant 432 : index
      %swap3A_484 = tpu.vector_load %arg9[%swap3A_483] masked %le3A_479 {strides = array<i32>} : memref<512xi32, #tpu.memory_space<vmem>>, vector<16xi32>, vector<16xi1>
      tpu.vector_store %arg9[%swap3A_483], %add3A_482 masked %le3A_479 {strides = array<i32>} : memref<512xi32, #tpu.memory_space<vmem>>, vector<16xi32>, vector<16xi1>
      %all_reduce_population_count3A_485 = tpu.all_reduce %le3A_479 {dim = 0 : i64, kind = #tpu.reduction_kind<sum>} : vector<16xi1> -> vector<16xi32>
      %eq3A_486 = arith.constant 11 : i32
      %eq3A_487 = vector.broadcast %eq3A_486 : i32 to vector<16xi32>
      %eq3A_488 = arith.cmpi eq, %iota3A, %eq3A_487 : vector<16xi32>
      %select_n3A_489 = arith.select %eq3A_488, %all_reduce_population_count3A_485, %select_n3A_475 : vector<16xi1>, vector<16xi32>
      %get3A_490 = arith.index_cast %scan3A_45 : i32 to index
      %get3A_491 = arith.constant 448 : index
      %get3A_492 = tpu.vector_load %arg6[%get3A_490, %get3A_491] {strides = array<i32>} : memref<128x512xf32, #tpu.memory_space<vmem>>, vector<16xf32>,
      %le3A_493 = arith.cmpf ole, %get3A_492, %gather3A_96 : vector<16xf32>
      %add3A_494 = arith.constant 448 : i32
      %add3A_495 = vector.broadcast %add3A_494 : i32 to vector<16xi32>
      %add3A_496 = arith.addi %iota3A, %add3A_495 : vector<16xi32>
      %swap3A_497 = arith.constant 448 : index
      %swap3A_498 = tpu.vector_load %arg9[%swap3A_497] masked %le3A_493 {strides = array<i32>} : memref<512xi32, #tpu.memory_space<vmem>>, vector<16xi32>, vector<16xi1>
      tpu.vector_store %arg9[%swap3A_497], %add3A_496 masked %le3A_493 {strides = array<i32>} : memref<512xi32, #tpu.memory_space<vmem>>, vector<16xi32>, vector<16xi1>
      %all_reduce_population_count3A_499 = tpu.all_reduce %le3A_493 {dim = 0 : i64, kind = #tpu.reduction_kind<sum>} : vector<16xi1> -> vector<16xi32>
      %eq3A_500 = arith.constant 12 : i32
      %eq3A_501 = vector.broadcast %eq3A_500 : i32 to vector<16xi32>
      %eq3A_502 = arith.cmpi eq, %iota3A, %eq3A_501 : vector<16xi32>
      %select_n3A_503 = arith.select %eq3A_502, %all_reduce_population_count3A_499, %select_n3A_489 : vector<16xi1>, vector<16xi32>
      %get3A_504 = arith.index_cast %scan3A_45 : i32 to index
      %get3A_505 = arith.constant 464 : index
      %get3A_506 = tpu.vector_load %arg6[%get3A_504, %get3A_505] {strides = array<i32>} : memref<128x512xf32, #tpu.memory_space<vmem>>, vector<16xf32>,
      %le3A_507 = arith.cmpf ole, %get3A_506, %gather3A_96 : vector<16xf32>
      %add3A_508 = arith.constant 464 : i32
      %add3A_509 = vector.broadcast %add3A_508 : i32 to vector<16xi32>
      %add3A_510 = arith.addi %iota3A, %add3A_509 : vector<16xi32>
      %swap3A_511 = arith.constant 464 : index
      %swap3A_512 = tpu.vector_load %arg9[%swap3A_511] masked %le3A_507 {strides = array<i32>} : memref<512xi32, #tpu.memory_space<vmem>>, vector<16xi32>, vector<16xi1>
      tpu.vector_store %arg9[%swap3A_511], %add3A_510 masked %le3A_507 {strides = array<i32>} : memref<512xi32, #tpu.memory_space<vmem>>, vector<16xi32>, vector<16xi1>
      %all_reduce_population_count3A_513 = tpu.all_reduce %le3A_507 {dim = 0 : i64, kind = #tpu.reduction_kind<sum>} : vector<16xi1> -> vector<16xi32>
      %eq3A_514 = arith.constant 13 : i32
      %eq3A_515 = vector.broadcast %eq3A_514 : i32 to vector<16xi32>
      %eq3A_516 = arith.cmpi eq, %iota3A, %eq3A_515 : vector<16xi32>
      %select_n3A_517 = arith.select %eq3A_516, %all_reduce_population_count3A_513, %select_n3A_503 : vector<16xi1>, vector<16xi32>
      %get3A_518 = arith.index_cast %scan3A_45 : i32 to index
      %get3A_519 = arith.constant 480 : index
      %get3A_520 = tpu.vector_load %arg6[%get3A_518, %get3A_519] {strides = array<i32>} : memref<128x512xf32, #tpu.memory_space<vmem>>, vector<16xf32>,
      %le3A_521 = arith.cmpf ole, %get3A_520, %gather3A_96 : vector<16xf32>
      %add3A_522 = arith.constant 480 : i32
      %add3A_523 = vector.broadcast %add3A_522 : i32 to vector<16xi32>
      %add3A_524 = arith.addi %iota3A, %add3A_523 : vector<16xi32>
      %swap3A_525 = arith.constant 480 : index
      %swap3A_526 = tpu.vector_load %arg9[%swap3A_525] masked %le3A_521 {strides = array<i32>} : memref<512xi32, #tpu.memory_space<vmem>>, vector<16xi32>, vector<16xi1>
      tpu.vector_store %arg9[%swap3A_525], %add3A_524 masked %le3A_521 {strides = array<i32>} : memref<512xi32, #tpu.memory_space<vmem>>, vector<16xi32>, vector<16xi1>
      %all_reduce_population_count3A_527 = tpu.all_reduce %le3A_521 {dim = 0 : i64, kind = #tpu.reduction_kind<sum>} : vector<16xi1> -> vector<16xi32>
      %eq3A_528 = arith.constant 14 : i32
      %eq3A_529 = vector.broadcast %eq3A_528 : i32 to vector<16xi32>
      %eq3A_530 = arith.cmpi eq, %iota3A, %eq3A_529 : vector<16xi32>
      %select_n3A_531 = arith.select %eq3A_530, %all_reduce_population_count3A_527, %select_n3A_517 : vector<16xi1>, vector<16xi32>
      %get3A_532 = arith.index_cast %scan3A_45 : i32 to index
      %get3A_533 = arith.constant 496 : index
      %get3A_534 = tpu.vector_load %arg6[%get3A_532, %get3A_533] {strides = array<i32>} : memref<128x512xf32, #tpu.memory_space<vmem>>, vector<16xf32>,
      %le3A_535 = arith.cmpf ole, %get3A_534, %gather3A_96 : vector<16xf32>
      %add3A_536 = arith.constant 496 : i32
      %add3A_537 = vector.broadcast %add3A_536 : i32 to vector<16xi32>
      %add3A_538 = arith.addi %iota3A, %add3A_537 : vector<16xi32>
      %swap3A_539 = arith.constant 496 : index
      %swap3A_540 = tpu.vector_load %arg9[%swap3A_539] masked %le3A_535 {strides = array<i32>} : memref<512xi32, #tpu.memory_space<vmem>>, vector<16xi32>, vector<16xi1>
      tpu.vector_store %arg9[%swap3A_539], %add3A_538 masked %le3A_535 {strides = array<i32>} : memref<512xi32, #tpu.memory_space<vmem>>, vector<16xi32>, vector<16xi1>
      %all_reduce_population_count3A_541 = tpu.all_reduce %le3A_535 {dim = 0 : i64, kind = #tpu.reduction_kind<sum>} : vector<16xi1> -> vector<16xi32>
      %eq3A_542 = arith.constant 15 : i32
      %eq3A_543 = vector.broadcast %eq3A_542 : i32 to vector<16xi32>
      %eq3A_544 = arith.cmpi eq, %iota3A, %eq3A_543 : vector<16xi32>
      %select_n3A_545 = arith.select %eq3A_544, %all_reduce_population_count3A_541, %select_n3A_531 : vector<16xi1>, vector<16xi32>
      %broadcast_in_dim3A_546 = arith.constant true
      %broadcast_in_dim3A_547 = vector.broadcast %broadcast_in_dim3A_546 : i1 to vector<16xi1>
      %masked_cumsum3A = tpu.scan <sum>, %select_n3A_321 masked %broadcast_in_dim3A_547 : vector<16xi32>, vector<16xi1> -> vector<16xi32>
      %broadcast_in_dim3A_548 = arith.constant 15 : i32
      %broadcast_in_dim3A_549 = vector.broadcast %broadcast_in_dim3A_548 : i32 to vector<16xi32>
      %lt3A_550 = arith.constant 0 : i32
      %lt3A_551 = vector.broadcast %lt3A_550 : i32 to vector<16xi32>
      %lt3A_552 = arith.cmpi slt, %broadcast_in_dim3A_549, %lt3A_551 : vector<16xi32>
      %add3A_553 = arith.constant 16 : i32
      %add3A_554 = vector.broadcast %add3A_553 : i32 to vector<16xi32>
      %add3A_555 = arith.addi %broadcast_in_dim3A_549, %add3A_554 : vector<16xi32>
      %select_n3A_556 = arith.select %lt3A_552, %add3A_555, %broadcast_in_dim3A_549 : vector<16xi1>, vector<16xi32>
      %reshape3A_557 = vector.shape_cast %select_n3A_556 : vector<16xi32> to vector<16x1xi32>
      %gather3A_558 = vector.shape_cast %reshape3A_557 : vector<16x1xi32> to vector<16xi32>
      %gather3A_559 = tpu.dynamic_gather %masked_cumsum3A[%gather3A_558] in [0] : vector<16xi32>, vector<16xi32> -> vector<16xi32>
      %broadcast_in_dim3A_560 = arith.constant true
      %broadcast_in_dim3A_561 = vector.broadcast %broadcast_in_dim3A_560 : i1 to vector<16xi1>
      %masked_cumsum3A_562 = tpu.scan <sum>, %select_n3A_545 masked %broadcast_in_dim3A_561 : vector<16xi32>, vector<16xi1> -> vector<16xi32>
      %add3A_563 = arith.addi %masked_cumsum3A_562, %gather3A_559 : vector<16xi32>
      %sub3A_564 = arith.subi %masked_cumsum3A, %select_n3A_321 : vector<16xi32>
      %sub3A_565 = arith.subi %add3A_563, %select_n3A_545 : vector<16xi32>
      %swap3A_566 = arith.constant 0 : index
      %swap3A_567 = tpu.vector_load %arg10[%swap3A_566] {strides = array<i32>} : memref<32xi32, #tpu.memory_space<vmem>>, vector<16xi32>,
      tpu.vector_store %arg10[%swap3A_566], %sub3A_564 {strides = array<i32>} : memref<32xi32, #tpu.memory_space<vmem>>, vector<16xi32>,
      %swap3A_568 = arith.constant 16 : index
      %swap3A_569 = tpu.vector_load %arg10[%swap3A_568] {strides = array<i32>} : memref<32xi32, #tpu.memory_space<vmem>>, vector<16xi32>,
      tpu.vector_store %arg10[%swap3A_568], %sub3A_565 {strides = array<i32>} : memref<32xi32, #tpu.memory_space<vmem>>, vector<16xi32>,
      %broadcast_in_dim3A_570 = arith.constant 1 : i32
      %broadcast_in_dim3A_571 = vector.broadcast %broadcast_in_dim3A_570 : i32 to vector<16xi32>
      %broadcast_in_dim3A_572 = arith.constant 0 : i32
      %broadcast_in_dim3A_573 = vector.broadcast %broadcast_in_dim3A_572 : i32 to vector<16xi32>
      %broadcast_in_dim3A_574 = arith.constant 0 : i32
      %broadcast_in_dim3A_575 = vector.broadcast %broadcast_in_dim3A_574 : i32 to vector<16xi32>
      %lt3A_576 = arith.constant 0 : i32
      %lt3A_577 = vector.broadcast %lt3A_576 : i32 to vector<16xi32>
      %lt3A_578 = arith.cmpi slt, %broadcast_in_dim3A_575, %lt3A_577 : vector<16xi32>
      %add3A_579 = arith.constant 16 : i32
      %add3A_580 = vector.broadcast %add3A_579 : i32 to vector<16xi32>
      %add3A_581 = arith.addi %broadcast_in_dim3A_575, %add3A_580 : vector<16xi32>
      %select_n3A_582 = arith.select %lt3A_578, %add3A_581, %broadcast_in_dim3A_575 : vector<16xi1>, vector<16xi32>
      %reshape3A_583 = vector.shape_cast %select_n3A_582 : vector<16xi32> to vector<16x1xi32>
      %gather3A_584 = vector.shape_cast %reshape3A_583 : vector<16x1xi32> to vector<16xi32>
      %gather3A_585 = tpu.dynamic_gather %sub3A_564[%gather3A_584] in [0] : vector<16xi32>, vector<16xi32> -> vector<16xi32>
      %le3A_586 = arith.cmpi sle, %gather3A_585, %iota3A : vector<16xi32>
      %select_n3A_587 = arith.select %le3A_586, %broadcast_in_dim3A_571, %broadcast_in_dim3A_573 : vector<16xi1>, vector<16xi32>
      %add3A_588 = arith.addi %broadcast_in_dim3A_573, %select_n3A_587 : vector<16xi32>
      %broadcast_in_dim3A_589 = arith.constant 1 : i32
      %broadcast_in_dim3A_590 = vector.broadcast %broadcast_in_dim3A_589 : i32 to vector<16xi32>
      %lt3A_591 = arith.constant 0 : i32
      %lt3A_592 = vector.broadcast %lt3A_591 : i32 to vector<16xi32>
      %lt3A_593 = arith.cmpi slt, %broadcast_in_dim3A_590, %lt3A_592 : vector<16xi32>
      %add3A_594 = arith.constant 16 : i32
      %add3A_595 = vector.broadcast %add3A_594 : i32 to vector<16xi32>
      %add3A_596 = arith.addi %broadcast_in_dim3A_590, %add3A_595 : vector<16xi32>
      %select_n3A_597 = arith.select %lt3A_593, %add3A_596, %broadcast_in_dim3A_590 : vector<16xi1>, vector<16xi32>
      %reshape3A_598 = vector.shape_cast %select_n3A_597 : vector<16xi32> to vector<16x1xi32>
      %gather3A_599 = vector.shape_cast %reshape3A_598 : vector<16x1xi32> to vector<16xi32>
      %gather3A_600 = tpu.dynamic_gather %sub3A_564[%gather3A_599] in [0] : vector<16xi32>, vector<16xi32> -> vector<16xi32>
      %le3A_601 = arith.cmpi sle, %gather3A_600, %iota3A : vector<16xi32>
      %select_n3A_602 = arith.select %le3A_601, %broadcast_in_dim3A_571, %broadcast_in_dim3A_573 : vector<16xi1>, vector<16xi32>
      %add3A_603 = arith.addi %add3A_588, %select_n3A_602 : vector<16xi32>
      %broadcast_in_dim3A_604 = arith.constant 2 : i32
      %broadcast_in_dim3A_605 = vector.broadcast %broadcast_in_dim3A_604 : i32 to vector<16xi32>
      %lt3A_606 = arith.constant 0 : i32
      %lt3A_607 = vector.broadcast %lt3A_606 : i32 to vector<16xi32>
      %lt3A_608 = arith.cmpi slt, %broadcast_in_dim3A_605, %lt3A_607 : vector<16xi32>
      %add3A_609 = arith.constant 16 : i32
      %add3A_610 = vector.broadcast %add3A_609 : i32 to vector<16xi32>
      %add3A_611 = arith.addi %broadcast_in_dim3A_605, %add3A_610 : vector<16xi32>
      %select_n3A_612 = arith.select %lt3A_608, %add3A_611, %broadcast_in_dim3A_605 : vector<16xi1>, vector<16xi32>
      %reshape3A_613 = vector.shape_cast %select_n3A_612 : vector<16xi32> to vector<16x1xi32>
      %gather3A_614 = vector.shape_cast %reshape3A_613 : vector<16x1xi32> to vector<16xi32>
      %gather3A_615 = tpu.dynamic_gather %sub3A_564[%gather3A_614] in [0] : vector<16xi32>, vector<16xi32> -> vector<16xi32>
      %le3A_616 = arith.cmpi sle, %gather3A_615, %iota3A : vector<16xi32>
      %select_n3A_617 = arith.select %le3A_616, %broadcast_in_dim3A_571, %broadcast_in_dim3A_573 : vector<16xi1>, vector<16xi32>
      %add3A_618 = arith.addi %add3A_603, %select_n3A_617 : vector<16xi32>
      %broadcast_in_dim3A_619 = arith.constant 3 : i32
      %broadcast_in_dim3A_620 = vector.broadcast %broadcast_in_dim3A_619 : i32 to vector<16xi32>
      %lt3A_621 = arith.constant 0 : i32
      %lt3A_622 = vector.broadcast %lt3A_621 : i32 to vector<16xi32>
      %lt3A_623 = arith.cmpi slt, %broadcast_in_dim3A_620, %lt3A_622 : vector<16xi32>
      %add3A_624 = arith.constant 16 : i32
      %add3A_625 = vector.broadcast %add3A_624 : i32 to vector<16xi32>
      %add3A_626 = arith.addi %broadcast_in_dim3A_620, %add3A_625 : vector<16xi32>
      %select_n3A_627 = arith.select %lt3A_623, %add3A_626, %broadcast_in_dim3A_620 : vector<16xi1>, vector<16xi32>
      %reshape3A_628 = vector.shape_cast %select_n3A_627 : vector<16xi32> to vector<16x1xi32>
      %gather3A_629 = vector.shape_cast %reshape3A_628 : vector<16x1xi32> to vector<16xi32>
      %gather3A_630 = tpu.dynamic_gather %sub3A_564[%gather3A_629] in [0] : vector<16xi32>, vector<16xi32> -> vector<16xi32>
      %le3A_631 = arith.cmpi sle, %gather3A_630, %iota3A : vector<16xi32>
      %select_n3A_632 = arith.select %le3A_631, %broadcast_in_dim3A_571, %broadcast_in_dim3A_573 : vector<16xi1>, vector<16xi32>
      %add3A_633 = arith.addi %add3A_618, %select_n3A_632 : vector<16xi32>
      %broadcast_in_dim3A_634 = arith.constant 4 : i32
      %broadcast_in_dim3A_635 = vector.broadcast %broadcast_in_dim3A_634 : i32 to vector<16xi32>
      %lt3A_636 = arith.constant 0 : i32
      %lt3A_637 = vector.broadcast %lt3A_636 : i32 to vector<16xi32>
      %lt3A_638 = arith.cmpi slt, %broadcast_in_dim3A_635, %lt3A_637 : vector<16xi32>
      %add3A_639 = arith.constant 16 : i32
      %add3A_640 = vector.broadcast %add3A_639 : i32 to vector<16xi32>
      %add3A_641 = arith.addi %broadcast_in_dim3A_635, %add3A_640 : vector<16xi32>
      %select_n3A_642 = arith.select %lt3A_638, %add3A_641, %broadcast_in_dim3A_635 : vector<16xi1>, vector<16xi32>
      %reshape3A_643 = vector.shape_cast %select_n3A_642 : vector<16xi32> to vector<16x1xi32>
      %gather3A_644 = vector.shape_cast %reshape3A_643 : vector<16x1xi32> to vector<16xi32>
      %gather3A_645 = tpu.dynamic_gather %sub3A_564[%gather3A_644] in [0] : vector<16xi32>, vector<16xi32> -> vector<16xi32>
      %le3A_646 = arith.cmpi sle, %gather3A_645, %iota3A : vector<16xi32>
      %select_n3A_647 = arith.select %le3A_646, %broadcast_in_dim3A_571, %broadcast_in_dim3A_573 : vector<16xi1>, vector<16xi32>
      %add3A_648 = arith.addi %add3A_633, %select_n3A_647 : vector<16xi32>
      %broadcast_in_dim3A_649 = arith.constant 5 : i32
      %broadcast_in_dim3A_650 = vector.broadcast %broadcast_in_dim3A_649 : i32 to vector<16xi32>
      %lt3A_651 = arith.constant 0 : i32
      %lt3A_652 = vector.broadcast %lt3A_651 : i32 to vector<16xi32>
      %lt3A_653 = arith.cmpi slt, %broadcast_in_dim3A_650, %lt3A_652 : vector<16xi32>
      %add3A_654 = arith.constant 16 : i32
      %add3A_655 = vector.broadcast %add3A_654 : i32 to vector<16xi32>
      %add3A_656 = arith.addi %broadcast_in_dim3A_650, %add3A_655 : vector<16xi32>
      %select_n3A_657 = arith.select %lt3A_653, %add3A_656, %broadcast_in_dim3A_650 : vector<16xi1>, vector<16xi32>
      %reshape3A_658 = vector.shape_cast %select_n3A_657 : vector<16xi32> to vector<16x1xi32>
      %gather3A_659 = vector.shape_cast %reshape3A_658 : vector<16x1xi32> to vector<16xi32>
      %gather3A_660 = tpu.dynamic_gather %sub3A_564[%gather3A_659] in [0] : vector<16xi32>, vector<16xi32> -> vector<16xi32>
      %le3A_661 = arith.cmpi sle, %gather3A_660, %iota3A : vector<16xi32>
      %select_n3A_662 = arith.select %le3A_661, %broadcast_in_dim3A_571, %broadcast_in_dim3A_573 : vector<16xi1>, vector<16xi32>
      %add3A_663 = arith.addi %add3A_648, %select_n3A_662 : vector<16xi32>
      %broadcast_in_dim3A_664 = arith.constant 6 : i32
      %broadcast_in_dim3A_665 = vector.broadcast %broadcast_in_dim3A_664 : i32 to vector<16xi32>
      %lt3A_666 = arith.constant 0 : i32
      %lt3A_667 = vector.broadcast %lt3A_666 : i32 to vector<16xi32>
      %lt3A_668 = arith.cmpi slt, %broadcast_in_dim3A_665, %lt3A_667 : vector<16xi32>
      %add3A_669 = arith.constant 16 : i32
      %add3A_670 = vector.broadcast %add3A_669 : i32 to vector<16xi32>
      %add3A_671 = arith.addi %broadcast_in_dim3A_665, %add3A_670 : vector<16xi32>
      %select_n3A_672 = arith.select %lt3A_668, %add3A_671, %broadcast_in_dim3A_665 : vector<16xi1>, vector<16xi32>
      %reshape3A_673 = vector.shape_cast %select_n3A_672 : vector<16xi32> to vector<16x1xi32>
      %gather3A_674 = vector.shape_cast %reshape3A_673 : vector<16x1xi32> to vector<16xi32>
      %gather3A_675 = tpu.dynamic_gather %sub3A_564[%gather3A_674] in [0] : vector<16xi32>, vector<16xi32> -> vector<16xi32>
      %le3A_676 = arith.cmpi sle, %gather3A_675, %iota3A : vector<16xi32>
      %select_n3A_677 = arith.select %le3A_676, %broadcast_in_dim3A_571, %broadcast_in_dim3A_573 : vector<16xi1>, vector<16xi32>
      %add3A_678 = arith.addi %add3A_663, %select_n3A_677 : vector<16xi32>
      %broadcast_in_dim3A_679 = arith.constant 7 : i32
      %broadcast_in_dim3A_680 = vector.broadcast %broadcast_in_dim3A_679 : i32 to vector<16xi32>
      %lt3A_681 = arith.constant 0 : i32
      %lt3A_682 = vector.broadcast %lt3A_681 : i32 to vector<16xi32>
      %lt3A_683 = arith.cmpi slt, %broadcast_in_dim3A_680, %lt3A_682 : vector<16xi32>
      %add3A_684 = arith.constant 16 : i32
      %add3A_685 = vector.broadcast %add3A_684 : i32 to vector<16xi32>
      %add3A_686 = arith.addi %broadcast_in_dim3A_680, %add3A_685 : vector<16xi32>
      %select_n3A_687 = arith.select %lt3A_683, %add3A_686, %broadcast_in_dim3A_680 : vector<16xi1>, vector<16xi32>
      %reshape3A_688 = vector.shape_cast %select_n3A_687 : vector<16xi32> to vector<16x1xi32>
      %gather3A_689 = vector.shape_cast %reshape3A_688 : vector<16x1xi32> to vector<16xi32>
      %gather3A_690 = tpu.dynamic_gather %sub3A_564[%gather3A_689] in [0] : vector<16xi32>, vector<16xi32> -> vector<16xi32>
      %le3A_691 = arith.cmpi sle, %gather3A_690, %iota3A : vector<16xi32>
      %select_n3A_692 = arith.select %le3A_691, %broadcast_in_dim3A_571, %broadcast_in_dim3A_573 : vector<16xi1>, vector<16xi32>
      %add3A_693 = arith.addi %add3A_678, %select_n3A_692 : vector<16xi32>
      %broadcast_in_dim3A_694 = arith.constant 8 : i32
      %broadcast_in_dim3A_695 = vector.broadcast %broadcast_in_dim3A_694 : i32 to vector<16xi32>
      %lt3A_696 = arith.constant 0 : i32
      %lt3A_697 = vector.broadcast %lt3A_696 : i32 to vector<16xi32>
      %lt3A_698 = arith.cmpi slt, %broadcast_in_dim3A_695, %lt3A_697 : vector<16xi32>
      %add3A_699 = arith.constant 16 : i32
      %add3A_700 = vector.broadcast %add3A_699 : i32 to vector<16xi32>
      %add3A_701 = arith.addi %broadcast_in_dim3A_695, %add3A_700 : vector<16xi32>
      %select_n3A_702 = arith.select %lt3A_698, %add3A_701, %broadcast_in_dim3A_695 : vector<16xi1>, vector<16xi32>
      %reshape3A_703 = vector.shape_cast %select_n3A_702 : vector<16xi32> to vector<16x1xi32>
      %gather3A_704 = vector.shape_cast %reshape3A_703 : vector<16x1xi32> to vector<16xi32>
      %gather3A_705 = tpu.dynamic_gather %sub3A_564[%gather3A_704] in [0] : vector<16xi32>, vector<16xi32> -> vector<16xi32>
      %le3A_706 = arith.cmpi sle, %gather3A_705, %iota3A : vector<16xi32>
      %select_n3A_707 = arith.select %le3A_706, %broadcast_in_dim3A_571, %broadcast_in_dim3A_573 : vector<16xi1>, vector<16xi32>
      %add3A_708 = arith.addi %add3A_693, %select_n3A_707 : vector<16xi32>
      %broadcast_in_dim3A_709 = arith.constant 9 : i32
      %broadcast_in_dim3A_710 = vector.broadcast %broadcast_in_dim3A_709 : i32 to vector<16xi32>
      %lt3A_711 = arith.constant 0 : i32
      %lt3A_712 = vector.broadcast %lt3A_711 : i32 to vector<16xi32>
      %lt3A_713 = arith.cmpi slt, %broadcast_in_dim3A_710, %lt3A_712 : vector<16xi32>
      %add3A_714 = arith.constant 16 : i32
      %add3A_715 = vector.broadcast %add3A_714 : i32 to vector<16xi32>
      %add3A_716 = arith.addi %broadcast_in_dim3A_710, %add3A_715 : vector<16xi32>
      %select_n3A_717 = arith.select %lt3A_713, %add3A_716, %broadcast_in_dim3A_710 : vector<16xi1>, vector<16xi32>
      %reshape3A_718 = vector.shape_cast %select_n3A_717 : vector<16xi32> to vector<16x1xi32>
      %gather3A_719 = vector.shape_cast %reshape3A_718 : vector<16x1xi32> to vector<16xi32>
      %gather3A_720 = tpu.dynamic_gather %sub3A_564[%gather3A_719] in [0] : vector<16xi32>, vector<16xi32> -> vector<16xi32>
      %le3A_721 = arith.cmpi sle, %gather3A_720, %iota3A : vector<16xi32>
      %select_n3A_722 = arith.select %le3A_721, %broadcast_in_dim3A_571, %broadcast_in_dim3A_573 : vector<16xi1>, vector<16xi32>
      %add3A_723 = arith.addi %add3A_708, %select_n3A_722 : vector<16xi32>
      %broadcast_in_dim3A_724 = arith.constant 10 : i32
      %broadcast_in_dim3A_725 = vector.broadcast %broadcast_in_dim3A_724 : i32 to vector<16xi32>
      %lt3A_726 = arith.constant 0 : i32
      %lt3A_727 = vector.broadcast %lt3A_726 : i32 to vector<16xi32>
      %lt3A_728 = arith.cmpi slt, %broadcast_in_dim3A_725, %lt3A_727 : vector<16xi32>
      %add3A_729 = arith.constant 16 : i32
      %add3A_730 = vector.broadcast %add3A_729 : i32 to vector<16xi32>
      %add3A_731 = arith.addi %broadcast_in_dim3A_725, %add3A_730 : vector<16xi32>
      %select_n3A_732 = arith.select %lt3A_728, %add3A_731, %broadcast_in_dim3A_725 : vector<16xi1>, vector<16xi32>
      %reshape3A_733 = vector.shape_cast %select_n3A_732 : vector<16xi32> to vector<16x1xi32>
      %gather3A_734 = vector.shape_cast %reshape3A_733 : vector<16x1xi32> to vector<16xi32>
      %gather3A_735 = tpu.dynamic_gather %sub3A_564[%gather3A_734] in [0] : vector<16xi32>, vector<16xi32> -> vector<16xi32>
      %le3A_736 = arith.cmpi sle, %gather3A_735, %iota3A : vector<16xi32>
      %select_n3A_737 = arith.select %le3A_736, %broadcast_in_dim3A_571, %broadcast_in_dim3A_573 : vector<16xi1>, vector<16xi32>
      %add3A_738 = arith.addi %add3A_723, %select_n3A_737 : vector<16xi32>
      %broadcast_in_dim3A_739 = arith.constant 11 : i32
      %broadcast_in_dim3A_740 = vector.broadcast %broadcast_in_dim3A_739 : i32 to vector<16xi32>
      %lt3A_741 = arith.constant 0 : i32
      %lt3A_742 = vector.broadcast %lt3A_741 : i32 to vector<16xi32>
      %lt3A_743 = arith.cmpi slt, %broadcast_in_dim3A_740, %lt3A_742 : vector<16xi32>
      %add3A_744 = arith.constant 16 : i32
      %add3A_745 = vector.broadcast %add3A_744 : i32 to vector<16xi32>
      %add3A_746 = arith.addi %broadcast_in_dim3A_740, %add3A_745 : vector<16xi32>
      %select_n3A_747 = arith.select %lt3A_743, %add3A_746, %broadcast_in_dim3A_740 : vector<16xi1>, vector<16xi32>
      %reshape3A_748 = vector.shape_cast %select_n3A_747 : vector<16xi32> to vector<16x1xi32>
      %gather3A_749 = vector.shape_cast %reshape3A_748 : vector<16x1xi32> to vector<16xi32>
      %gather3A_750 = tpu.dynamic_gather %sub3A_564[%gather3A_749] in [0] : vector<16xi32>, vector<16xi32> -> vector<16xi32>
      %le3A_751 = arith.cmpi sle, %gather3A_750, %iota3A : vector<16xi32>
      %select_n3A_752 = arith.select %le3A_751, %broadcast_in_dim3A_571, %broadcast_in_dim3A_573 : vector<16xi1>, vector<16xi32>
      %add3A_753 = arith.addi %add3A_738, %select_n3A_752 : vector<16xi32>
      %broadcast_in_dim3A_754 = arith.constant 12 : i32
      %broadcast_in_dim3A_755 = vector.broadcast %broadcast_in_dim3A_754 : i32 to vector<16xi32>
      %lt3A_756 = arith.constant 0 : i32
      %lt3A_757 = vector.broadcast %lt3A_756 : i32 to vector<16xi32>
      %lt3A_758 = arith.cmpi slt, %broadcast_in_dim3A_755, %lt3A_757 : vector<16xi32>
      %add3A_759 = arith.constant 16 : i32
      %add3A_760 = vector.broadcast %add3A_759 : i32 to vector<16xi32>
      %add3A_761 = arith.addi %broadcast_in_dim3A_755, %add3A_760 : vector<16xi32>
      %select_n3A_762 = arith.select %lt3A_758, %add3A_761, %broadcast_in_dim3A_755 : vector<16xi1>, vector<16xi32>
      %reshape3A_763 = vector.shape_cast %select_n3A_762 : vector<16xi32> to vector<16x1xi32>
      %gather3A_764 = vector.shape_cast %reshape3A_763 : vector<16x1xi32> to vector<16xi32>
      %gather3A_765 = tpu.dynamic_gather %sub3A_564[%gather3A_764] in [0] : vector<16xi32>, vector<16xi32> -> vector<16xi32>
      %le3A_766 = arith.cmpi sle, %gather3A_765, %iota3A : vector<16xi32>
      %select_n3A_767 = arith.select %le3A_766, %broadcast_in_dim3A_571, %broadcast_in_dim3A_573 : vector<16xi1>, vector<16xi32>
      %add3A_768 = arith.addi %add3A_753, %select_n3A_767 : vector<16xi32>
      %broadcast_in_dim3A_769 = arith.constant 13 : i32
      %broadcast_in_dim3A_770 = vector.broadcast %broadcast_in_dim3A_769 : i32 to vector<16xi32>
      %lt3A_771 = arith.constant 0 : i32
      %lt3A_772 = vector.broadcast %lt3A_771 : i32 to vector<16xi32>
      %lt3A_773 = arith.cmpi slt, %broadcast_in_dim3A_770, %lt3A_772 : vector<16xi32>
      %add3A_774 = arith.constant 16 : i32
      %add3A_775 = vector.broadcast %add3A_774 : i32 to vector<16xi32>
      %add3A_776 = arith.addi %broadcast_in_dim3A_770, %add3A_775 : vector<16xi32>
      %select_n3A_777 = arith.select %lt3A_773, %add3A_776, %broadcast_in_dim3A_770 : vector<16xi1>, vector<16xi32>
      %reshape3A_778 = vector.shape_cast %select_n3A_777 : vector<16xi32> to vector<16x1xi32>
      %gather3A_779 = vector.shape_cast %reshape3A_778 : vector<16x1xi32> to vector<16xi32>
      %gather3A_780 = tpu.dynamic_gather %sub3A_564[%gather3A_779] in [0] : vector<16xi32>, vector<16xi32> -> vector<16xi32>
      %le3A_781 = arith.cmpi sle, %gather3A_780, %iota3A : vector<16xi32>
      %select_n3A_782 = arith.select %le3A_781, %broadcast_in_dim3A_571, %broadcast_in_dim3A_573 : vector<16xi1>, vector<16xi32>
      %add3A_783 = arith.addi %add3A_768, %select_n3A_782 : vector<16xi32>
      %broadcast_in_dim3A_784 = arith.constant 14 : i32
      %broadcast_in_dim3A_785 = vector.broadcast %broadcast_in_dim3A_784 : i32 to vector<16xi32>
      %lt3A_786 = arith.constant 0 : i32
      %lt3A_787 = vector.broadcast %lt3A_786 : i32 to vector<16xi32>
      %lt3A_788 = arith.cmpi slt, %broadcast_in_dim3A_785, %lt3A_787 : vector<16xi32>
      %add3A_789 = arith.constant 16 : i32
      %add3A_790 = vector.broadcast %add3A_789 : i32 to vector<16xi32>
      %add3A_791 = arith.addi %broadcast_in_dim3A_785, %add3A_790 : vector<16xi32>
      %select_n3A_792 = arith.select %lt3A_788, %add3A_791, %broadcast_in_dim3A_785 : vector<16xi1>, vector<16xi32>
      %reshape3A_793 = vector.shape_cast %select_n3A_792 : vector<16xi32> to vector<16x1xi32>
      %gather3A_794 = vector.shape_cast %reshape3A_793 : vector<16x1xi32> to vector<16xi32>
      %gather3A_795 = tpu.dynamic_gather %sub3A_564[%gather3A_794] in [0] : vector<16xi32>, vector<16xi32> -> vector<16xi32>
      %le3A_796 = arith.cmpi sle, %gather3A_795, %iota3A : vector<16xi32>
      %select_n3A_797 = arith.select %le3A_796, %broadcast_in_dim3A_571, %broadcast_in_dim3A_573 : vector<16xi1>, vector<16xi32>
      %add3A_798 = arith.addi %add3A_783, %select_n3A_797 : vector<16xi32>
      %broadcast_in_dim3A_799 = arith.constant 15 : i32
      %broadcast_in_dim3A_800 = vector.broadcast %broadcast_in_dim3A_799 : i32 to vector<16xi32>
      %lt3A_801 = arith.constant 0 : i32
      %lt3A_802 = vector.broadcast %lt3A_801 : i32 to vector<16xi32>
      %lt3A_803 = arith.cmpi slt, %broadcast_in_dim3A_800, %lt3A_802 : vector<16xi32>
      %add3A_804 = arith.constant 16 : i32
      %add3A_805 = vector.broadcast %add3A_804 : i32 to vector<16xi32>
      %add3A_806 = arith.addi %broadcast_in_dim3A_800, %add3A_805 : vector<16xi32>
      %select_n3A_807 = arith.select %lt3A_803, %add3A_806, %broadcast_in_dim3A_800 : vector<16xi1>, vector<16xi32>
      %reshape3A_808 = vector.shape_cast %select_n3A_807 : vector<16xi32> to vector<16x1xi32>
      %gather3A_809 = vector.shape_cast %reshape3A_808 : vector<16x1xi32> to vector<16xi32>
      %gather3A_810 = tpu.dynamic_gather %sub3A_564[%gather3A_809] in [0] : vector<16xi32>, vector<16xi32> -> vector<16xi32>
      %le3A_811 = arith.cmpi sle, %gather3A_810, %iota3A : vector<16xi32>
      %select_n3A_812 = arith.select %le3A_811, %broadcast_in_dim3A_571, %broadcast_in_dim3A_573 : vector<16xi1>, vector<16xi32>
      %add3A_813 = arith.addi %add3A_798, %select_n3A_812 : vector<16xi32>
      %broadcast_in_dim3A_814 = arith.constant 0 : i32
      %broadcast_in_dim3A_815 = vector.broadcast %broadcast_in_dim3A_814 : i32 to vector<16xi32>
      %lt3A_816 = arith.constant 0 : i32
      %lt3A_817 = vector.broadcast %lt3A_816 : i32 to vector<16xi32>
      %lt3A_818 = arith.cmpi slt, %broadcast_in_dim3A_815, %lt3A_817 : vector<16xi32>
      %add3A_819 = arith.constant 16 : i32
      %add3A_820 = vector.broadcast %add3A_819 : i32 to vector<16xi32>
      %add3A_821 = arith.addi %broadcast_in_dim3A_815, %add3A_820 : vector<16xi32>
      %select_n3A_822 = arith.select %lt3A_818, %add3A_821, %broadcast_in_dim3A_815 : vector<16xi1>, vector<16xi32>
      %reshape3A_823 = vector.shape_cast %select_n3A_822 : vector<16xi32> to vector<16x1xi32>
      %gather3A_824 = vector.shape_cast %reshape3A_823 : vector<16x1xi32> to vector<16xi32>
      %gather3A_825 = tpu.dynamic_gather %sub3A_565[%gather3A_824] in [0] : vector<16xi32>, vector<16xi32> -> vector<16xi32>
      %le3A_826 = arith.cmpi sle, %gather3A_825, %iota3A : vector<16xi32>
      %select_n3A_827 = arith.select %le3A_826, %broadcast_in_dim3A_571, %broadcast_in_dim3A_573 : vector<16xi1>, vector<16xi32>
      %add3A_828 = arith.addi %add3A_813, %select_n3A_827 : vector<16xi32>
      %broadcast_in_dim3A_829 = arith.constant 1 : i32
      %broadcast_in_dim3A_830 = vector.broadcast %broadcast_in_dim3A_829 : i32 to vector<16xi32>
      %lt3A_831 = arith.constant 0 : i32
      %lt3A_832 = vector.broadcast %lt3A_831 : i32 to vector<16xi32>
      %lt3A_833 = arith.cmpi slt, %broadcast_in_dim3A_830, %lt3A_832 : vector<16xi32>
      %add3A_834 = arith.constant 16 : i32
      %add3A_835 = vector.broadcast %add3A_834 : i32 to vector<16xi32>
      %add3A_836 = arith.addi %broadcast_in_dim3A_830, %add3A_835 : vector<16xi32>
      %select_n3A_837 = arith.select %lt3A_833, %add3A_836, %broadcast_in_dim3A_830 : vector<16xi1>, vector<16xi32>
      %reshape3A_838 = vector.shape_cast %select_n3A_837 : vector<16xi32> to vector<16x1xi32>
      %gather3A_839 = vector.shape_cast %reshape3A_838 : vector<16x1xi32> to vector<16xi32>
      %gather3A_840 = tpu.dynamic_gather %sub3A_565[%gather3A_839] in [0] : vector<16xi32>, vector<16xi32> -> vector<16xi32>
      %le3A_841 = arith.cmpi sle, %gather3A_840, %iota3A : vector<16xi32>
      %select_n3A_842 = arith.select %le3A_841, %broadcast_in_dim3A_571, %broadcast_in_dim3A_573 : vector<16xi1>, vector<16xi32>
      %add3A_843 = arith.addi %add3A_828, %select_n3A_842 : vector<16xi32>
      %broadcast_in_dim3A_844 = arith.constant 2 : i32
      %broadcast_in_dim3A_845 = vector.broadcast %broadcast_in_dim3A_844 : i32 to vector<16xi32>
      %lt3A_846 = arith.constant 0 : i32
      %lt3A_847 = vector.broadcast %lt3A_846 : i32 to vector<16xi32>
      %lt3A_848 = arith.cmpi slt, %broadcast_in_dim3A_845, %lt3A_847 : vector<16xi32>
      %add3A_849 = arith.constant 16 : i32
      %add3A_850 = vector.broadcast %add3A_849 : i32 to vector<16xi32>
      %add3A_851 = arith.addi %broadcast_in_dim3A_845, %add3A_850 : vector<16xi32>
      %select_n3A_852 = arith.select %lt3A_848, %add3A_851, %broadcast_in_dim3A_845 : vector<16xi1>, vector<16xi32>
      %reshape3A_853 = vector.shape_cast %select_n3A_852 : vector<16xi32> to vector<16x1xi32>
      %gather3A_854 = vector.shape_cast %reshape3A_853 : vector<16x1xi32> to vector<16xi32>
      %gather3A_855 = tpu.dynamic_gather %sub3A_565[%gather3A_854] in [0] : vector<16xi32>, vector<16xi32> -> vector<16xi32>
      %le3A_856 = arith.cmpi sle, %gather3A_855, %iota3A : vector<16xi32>
      %select_n3A_857 = arith.select %le3A_856, %broadcast_in_dim3A_571, %broadcast_in_dim3A_573 : vector<16xi1>, vector<16xi32>
      %add3A_858 = arith.addi %add3A_843, %select_n3A_857 : vector<16xi32>
      %broadcast_in_dim3A_859 = arith.constant 3 : i32
      %broadcast_in_dim3A_860 = vector.broadcast %broadcast_in_dim3A_859 : i32 to vector<16xi32>
      %lt3A_861 = arith.constant 0 : i32
      %lt3A_862 = vector.broadcast %lt3A_861 : i32 to vector<16xi32>
      %lt3A_863 = arith.cmpi slt, %broadcast_in_dim3A_860, %lt3A_862 : vector<16xi32>
      %add3A_864 = arith.constant 16 : i32
      %add3A_865 = vector.broadcast %add3A_864 : i32 to vector<16xi32>
      %add3A_866 = arith.addi %broadcast_in_dim3A_860, %add3A_865 : vector<16xi32>
      %select_n3A_867 = arith.select %lt3A_863, %add3A_866, %broadcast_in_dim3A_860 : vector<16xi1>, vector<16xi32>
      %reshape3A_868 = vector.shape_cast %select_n3A_867 : vector<16xi32> to vector<16x1xi32>
      %gather3A_869 = vector.shape_cast %reshape3A_868 : vector<16x1xi32> to vector<16xi32>
      %gather3A_870 = tpu.dynamic_gather %sub3A_565[%gather3A_869] in [0] : vector<16xi32>, vector<16xi32> -> vector<16xi32>
      %le3A_871 = arith.cmpi sle, %gather3A_870, %iota3A : vector<16xi32>
      %select_n3A_872 = arith.select %le3A_871, %broadcast_in_dim3A_571, %broadcast_in_dim3A_573 : vector<16xi1>, vector<16xi32>
      %add3A_873 = arith.addi %add3A_858, %select_n3A_872 : vector<16xi32>
      %broadcast_in_dim3A_874 = arith.constant 4 : i32
      %broadcast_in_dim3A_875 = vector.broadcast %broadcast_in_dim3A_874 : i32 to vector<16xi32>
      %lt3A_876 = arith.constant 0 : i32
      %lt3A_877 = vector.broadcast %lt3A_876 : i32 to vector<16xi32>
      %lt3A_878 = arith.cmpi slt, %broadcast_in_dim3A_875, %lt3A_877 : vector<16xi32>
      %add3A_879 = arith.constant 16 : i32
      %add3A_880 = vector.broadcast %add3A_879 : i32 to vector<16xi32>
      %add3A_881 = arith.addi %broadcast_in_dim3A_875, %add3A_880 : vector<16xi32>
      %select_n3A_882 = arith.select %lt3A_878, %add3A_881, %broadcast_in_dim3A_875 : vector<16xi1>, vector<16xi32>
      %reshape3A_883 = vector.shape_cast %select_n3A_882 : vector<16xi32> to vector<16x1xi32>
      %gather3A_884 = vector.shape_cast %reshape3A_883 : vector<16x1xi32> to vector<16xi32>
      %gather3A_885 = tpu.dynamic_gather %sub3A_565[%gather3A_884] in [0] : vector<16xi32>, vector<16xi32> -> vector<16xi32>
      %le3A_886 = arith.cmpi sle, %gather3A_885, %iota3A : vector<16xi32>
      %select_n3A_887 = arith.select %le3A_886, %broadcast_in_dim3A_571, %broadcast_in_dim3A_573 : vector<16xi1>, vector<16xi32>
      %add3A_888 = arith.addi %add3A_873, %select_n3A_887 : vector<16xi32>
      %broadcast_in_dim3A_889 = arith.constant 5 : i32
      %broadcast_in_dim3A_890 = vector.broadcast %broadcast_in_dim3A_889 : i32 to vector<16xi32>
      %lt3A_891 = arith.constant 0 : i32
      %lt3A_892 = vector.broadcast %lt3A_891 : i32 to vector<16xi32>
      %lt3A_893 = arith.cmpi slt, %broadcast_in_dim3A_890, %lt3A_892 : vector<16xi32>
      %add3A_894 = arith.constant 16 : i32
      %add3A_895 = vector.broadcast %add3A_894 : i32 to vector<16xi32>
      %add3A_896 = arith.addi %broadcast_in_dim3A_890, %add3A_895 : vector<16xi32>
      %select_n3A_897 = arith.select %lt3A_893, %add3A_896, %broadcast_in_dim3A_890 : vector<16xi1>, vector<16xi32>
      %reshape3A_898 = vector.shape_cast %select_n3A_897 : vector<16xi32> to vector<16x1xi32>
      %gather3A_899 = vector.shape_cast %reshape3A_898 : vector<16x1xi32> to vector<16xi32>
      %gather3A_900 = tpu.dynamic_gather %sub3A_565[%gather3A_899] in [0] : vector<16xi32>, vector<16xi32> -> vector<16xi32>
      %le3A_901 = arith.cmpi sle, %gather3A_900, %iota3A : vector<16xi32>
      %select_n3A_902 = arith.select %le3A_901, %broadcast_in_dim3A_571, %broadcast_in_dim3A_573 : vector<16xi1>, vector<16xi32>
      %add3A_903 = arith.addi %add3A_888, %select_n3A_902 : vector<16xi32>
      %broadcast_in_dim3A_904 = arith.constant 6 : i32
      %broadcast_in_dim3A_905 = vector.broadcast %broadcast_in_dim3A_904 : i32 to vector<16xi32>
      %lt3A_906 = arith.constant 0 : i32
      %lt3A_907 = vector.broadcast %lt3A_906 : i32 to vector<16xi32>
      %lt3A_908 = arith.cmpi slt, %broadcast_in_dim3A_905, %lt3A_907 : vector<16xi32>
      %add3A_909 = arith.constant 16 : i32
      %add3A_910 = vector.broadcast %add3A_909 : i32 to vector<16xi32>
      %add3A_911 = arith.addi %broadcast_in_dim3A_905, %add3A_910 : vector<16xi32>
      %select_n3A_912 = arith.select %lt3A_908, %add3A_911, %broadcast_in_dim3A_905 : vector<16xi1>, vector<16xi32>
      %reshape3A_913 = vector.shape_cast %select_n3A_912 : vector<16xi32> to vector<16x1xi32>
      %gather3A_914 = vector.shape_cast %reshape3A_913 : vector<16x1xi32> to vector<16xi32>
      %gather3A_915 = tpu.dynamic_gather %sub3A_565[%gather3A_914] in [0] : vector<16xi32>, vector<16xi32> -> vector<16xi32>
      %le3A_916 = arith.cmpi sle, %gather3A_915, %iota3A : vector<16xi32>
      %select_n3A_917 = arith.select %le3A_916, %broadcast_in_dim3A_571, %broadcast_in_dim3A_573 : vector<16xi1>, vector<16xi32>
      %add3A_918 = arith.addi %add3A_903, %select_n3A_917 : vector<16xi32>
      %broadcast_in_dim3A_919 = arith.constant 7 : i32
      %broadcast_in_dim3A_920 = vector.broadcast %broadcast_in_dim3A_919 : i32 to vector<16xi32>
      %lt3A_921 = arith.constant 0 : i32
      %lt3A_922 = vector.broadcast %lt3A_921 : i32 to vector<16xi32>
      %lt3A_923 = arith.cmpi slt, %broadcast_in_dim3A_920, %lt3A_922 : vector<16xi32>
      %add3A_924 = arith.constant 16 : i32
      %add3A_925 = vector.broadcast %add3A_924 : i32 to vector<16xi32>
      %add3A_926 = arith.addi %broadcast_in_dim3A_920, %add3A_925 : vector<16xi32>
      %select_n3A_927 = arith.select %lt3A_923, %add3A_926, %broadcast_in_dim3A_920 : vector<16xi1>, vector<16xi32>
      %reshape3A_928 = vector.shape_cast %select_n3A_927 : vector<16xi32> to vector<16x1xi32>
      %gather3A_929 = vector.shape_cast %reshape3A_928 : vector<16x1xi32> to vector<16xi32>
      %gather3A_930 = tpu.dynamic_gather %sub3A_565[%gather3A_929] in [0] : vector<16xi32>, vector<16xi32> -> vector<16xi32>
      %le3A_931 = arith.cmpi sle, %gather3A_930, %iota3A : vector<16xi32>
      %select_n3A_932 = arith.select %le3A_931, %broadcast_in_dim3A_571, %broadcast_in_dim3A_573 : vector<16xi1>, vector<16xi32>
      %add3A_933 = arith.addi %add3A_918, %select_n3A_932 : vector<16xi32>
      %broadcast_in_dim3A_934 = arith.constant 8 : i32
      %broadcast_in_dim3A_935 = vector.broadcast %broadcast_in_dim3A_934 : i32 to vector<16xi32>
      %lt3A_936 = arith.constant 0 : i32
      %lt3A_937 = vector.broadcast %lt3A_936 : i32 to vector<16xi32>
      %lt3A_938 = arith.cmpi slt, %broadcast_in_dim3A_935, %lt3A_937 : vector<16xi32>
      %add3A_939 = arith.constant 16 : i32
      %add3A_940 = vector.broadcast %add3A_939 : i32 to vector<16xi32>
      %add3A_941 = arith.addi %broadcast_in_dim3A_935, %add3A_940 : vector<16xi32>
      %select_n3A_942 = arith.select %lt3A_938, %add3A_941, %broadcast_in_dim3A_935 : vector<16xi1>, vector<16xi32>
      %reshape3A_943 = vector.shape_cast %select_n3A_942 : vector<16xi32> to vector<16x1xi32>
      %gather3A_944 = vector.shape_cast %reshape3A_943 : vector<16x1xi32> to vector<16xi32>
      %gather3A_945 = tpu.dynamic_gather %sub3A_565[%gather3A_944] in [0] : vector<16xi32>, vector<16xi32> -> vector<16xi32>
      %le3A_946 = arith.cmpi sle, %gather3A_945, %iota3A : vector<16xi32>
      %select_n3A_947 = arith.select %le3A_946, %broadcast_in_dim3A_571, %broadcast_in_dim3A_573 : vector<16xi1>, vector<16xi32>
      %add3A_948 = arith.addi %add3A_933, %select_n3A_947 : vector<16xi32>
      %broadcast_in_dim3A_949 = arith.constant 9 : i32
      %broadcast_in_dim3A_950 = vector.broadcast %broadcast_in_dim3A_949 : i32 to vector<16xi32>
      %lt3A_951 = arith.constant 0 : i32
      %lt3A_952 = vector.broadcast %lt3A_951 : i32 to vector<16xi32>
      %lt3A_953 = arith.cmpi slt, %broadcast_in_dim3A_950, %lt3A_952 : vector<16xi32>
      %add3A_954 = arith.constant 16 : i32
      %add3A_955 = vector.broadcast %add3A_954 : i32 to vector<16xi32>
      %add3A_956 = arith.addi %broadcast_in_dim3A_950, %add3A_955 : vector<16xi32>
      %select_n3A_957 = arith.select %lt3A_953, %add3A_956, %broadcast_in_dim3A_950 : vector<16xi1>, vector<16xi32>
      %reshape3A_958 = vector.shape_cast %select_n3A_957 : vector<16xi32> to vector<16x1xi32>
      %gather3A_959 = vector.shape_cast %reshape3A_958 : vector<16x1xi32> to vector<16xi32>
      %gather3A_960 = tpu.dynamic_gather %sub3A_565[%gather3A_959] in [0] : vector<16xi32>, vector<16xi32> -> vector<16xi32>
      %le3A_961 = arith.cmpi sle, %gather3A_960, %iota3A : vector<16xi32>
      %select_n3A_962 = arith.select %le3A_961, %broadcast_in_dim3A_571, %broadcast_in_dim3A_573 : vector<16xi1>, vector<16xi32>
      %add3A_963 = arith.addi %add3A_948, %select_n3A_962 : vector<16xi32>
      %broadcast_in_dim3A_964 = arith.constant 10 : i32
      %broadcast_in_dim3A_965 = vector.broadcast %broadcast_in_dim3A_964 : i32 to vector<16xi32>
      %lt3A_966 = arith.constant 0 : i32
      %lt3A_967 = vector.broadcast %lt3A_966 : i32 to vector<16xi32>
      %lt3A_968 = arith.cmpi slt, %broadcast_in_dim3A_965, %lt3A_967 : vector<16xi32>
      %add3A_969 = arith.constant 16 : i32
      %add3A_970 = vector.broadcast %add3A_969 : i32 to vector<16xi32>
      %add3A_971 = arith.addi %broadcast_in_dim3A_965, %add3A_970 : vector<16xi32>
      %select_n3A_972 = arith.select %lt3A_968, %add3A_971, %broadcast_in_dim3A_965 : vector<16xi1>, vector<16xi32>
      %reshape3A_973 = vector.shape_cast %select_n3A_972 : vector<16xi32> to vector<16x1xi32>
      %gather3A_974 = vector.shape_cast %reshape3A_973 : vector<16x1xi32> to vector<16xi32>
      %gather3A_975 = tpu.dynamic_gather %sub3A_565[%gather3A_974] in [0] : vector<16xi32>, vector<16xi32> -> vector<16xi32>
      %le3A_976 = arith.cmpi sle, %gather3A_975, %iota3A : vector<16xi32>
      %select_n3A_977 = arith.select %le3A_976, %broadcast_in_dim3A_571, %broadcast_in_dim3A_573 : vector<16xi1>, vector<16xi32>
      %add3A_978 = arith.addi %add3A_963, %select_n3A_977 : vector<16xi32>
      %broadcast_in_dim3A_979 = arith.constant 11 : i32
      %broadcast_in_dim3A_980 = vector.broadcast %broadcast_in_dim3A_979 : i32 to vector<16xi32>
      %lt3A_981 = arith.constant 0 : i32
      %lt3A_982 = vector.broadcast %lt3A_981 : i32 to vector<16xi32>
      %lt3A_983 = arith.cmpi slt, %broadcast_in_dim3A_980, %lt3A_982 : vector<16xi32>
      %add3A_984 = arith.constant 16 : i32
      %add3A_985 = vector.broadcast %add3A_984 : i32 to vector<16xi32>
      %add3A_986 = arith.addi %broadcast_in_dim3A_980, %add3A_985 : vector<16xi32>
      %select_n3A_987 = arith.select %lt3A_983, %add3A_986, %broadcast_in_dim3A_980 : vector<16xi1>, vector<16xi32>
      %reshape3A_988 = vector.shape_cast %select_n3A_987 : vector<16xi32> to vector<16x1xi32>
      %gather3A_989 = vector.shape_cast %reshape3A_988 : vector<16x1xi32> to vector<16xi32>
      %gather3A_990 = tpu.dynamic_gather %sub3A_565[%gather3A_989] in [0] : vector<16xi32>, vector<16xi32> -> vector<16xi32>
      %le3A_991 = arith.cmpi sle, %gather3A_990, %iota3A : vector<16xi32>
      %select_n3A_992 = arith.select %le3A_991, %broadcast_in_dim3A_571, %broadcast_in_dim3A_573 : vector<16xi1>, vector<16xi32>
      %add3A_993 = arith.addi %add3A_978, %select_n3A_992 : vector<16xi32>
      %broadcast_in_dim3A_994 = arith.constant 12 : i32
      %broadcast_in_dim3A_995 = vector.broadcast %broadcast_in_dim3A_994 : i32 to vector<16xi32>
      %lt3A_996 = arith.constant 0 : i32
      %lt3A_997 = vector.broadcast %lt3A_996 : i32 to vector<16xi32>
      %lt3A_998 = arith.cmpi slt, %broadcast_in_dim3A_995, %lt3A_997 : vector<16xi32>
      %add3A_999 = arith.constant 16 : i32
      %add3A_1000 = vector.broadcast %add3A_999 : i32 to vector<16xi32>
      %add3A_1001 = arith.addi %broadcast_in_dim3A_995, %add3A_1000 : vector<16xi32>
      %select_n3A_1002 = arith.select %lt3A_998, %add3A_1001, %broadcast_in_dim3A_995 : vector<16xi1>, vector<16xi32>
      %reshape3A_1003 = vector.shape_cast %select_n3A_1002 : vector<16xi32> to vector<16x1xi32>
      %gather3A_1004 = vector.shape_cast %reshape3A_1003 : vector<16x1xi32> to vector<16xi32>
      %gather3A_1005 = tpu.dynamic_gather %sub3A_565[%gather3A_1004] in [0] : vector<16xi32>, vector<16xi32> -> vector<16xi32>
      %le3A_1006 = arith.cmpi sle, %gather3A_1005, %iota3A : vector<16xi32>
      %select_n3A_1007 = arith.select %le3A_1006, %broadcast_in_dim3A_571, %broadcast_in_dim3A_573 : vector<16xi1>, vector<16xi32>
      %add3A_1008 = arith.addi %add3A_993, %select_n3A_1007 : vector<16xi32>
      %broadcast_in_dim3A_1009 = arith.constant 13 : i32
      %broadcast_in_dim3A_1010 = vector.broadcast %broadcast_in_dim3A_1009 : i32 to vector<16xi32>
      %lt3A_1011 = arith.constant 0 : i32
      %lt3A_1012 = vector.broadcast %lt3A_1011 : i32 to vector<16xi32>
      %lt3A_1013 = arith.cmpi slt, %broadcast_in_dim3A_1010, %lt3A_1012 : vector<16xi32>
      %add3A_1014 = arith.constant 16 : i32
      %add3A_1015 = vector.broadcast %add3A_1014 : i32 to vector<16xi32>
      %add3A_1016 = arith.addi %broadcast_in_dim3A_1010, %add3A_1015 : vector<16xi32>
      %select_n3A_1017 = arith.select %lt3A_1013, %add3A_1016, %broadcast_in_dim3A_1010 : vector<16xi1>, vector<16xi32>
      %reshape3A_1018 = vector.shape_cast %select_n3A_1017 : vector<16xi32> to vector<16x1xi32>
      %gather3A_1019 = vector.shape_cast %reshape3A_1018 : vector<16x1xi32> to vector<16xi32>
      %gather3A_1020 = tpu.dynamic_gather %sub3A_565[%gather3A_1019] in [0] : vector<16xi32>, vector<16xi32> -> vector<16xi32>
      %le3A_1021 = arith.cmpi sle, %gather3A_1020, %iota3A : vector<16xi32>
      %select_n3A_1022 = arith.select %le3A_1021, %broadcast_in_dim3A_571, %broadcast_in_dim3A_573 : vector<16xi1>, vector<16xi32>
      %add3A_1023 = arith.addi %add3A_1008, %select_n3A_1022 : vector<16xi32>
      %broadcast_in_dim3A_1024 = arith.constant 14 : i32
      %broadcast_in_dim3A_1025 = vector.broadcast %broadcast_in_dim3A_1024 : i32 to vector<16xi32>
      %lt3A_1026 = arith.constant 0 : i32
      %lt3A_1027 = vector.broadcast %lt3A_1026 : i32 to vector<16xi32>
      %lt3A_1028 = arith.cmpi slt, %broadcast_in_dim3A_1025, %lt3A_1027 : vector<16xi32>
      %add3A_1029 = arith.constant 16 : i32
      %add3A_1030 = vector.broadcast %add3A_1029 : i32 to vector<16xi32>
      %add3A_1031 = arith.addi %broadcast_in_dim3A_1025, %add3A_1030 : vector<16xi32>
      %select_n3A_1032 = arith.select %lt3A_1028, %add3A_1031, %broadcast_in_dim3A_1025 : vector<16xi1>, vector<16xi32>
      %reshape3A_1033 = vector.shape_cast %select_n3A_1032 : vector<16xi32> to vector<16x1xi32>
      %gather3A_1034 = vector.shape_cast %reshape3A_1033 : vector<16x1xi32> to vector<16xi32>
      %gather3A_1035 = tpu.dynamic_gather %sub3A_565[%gather3A_1034] in [0] : vector<16xi32>, vector<16xi32> -> vector<16xi32>
      %le3A_1036 = arith.cmpi sle, %gather3A_1035, %iota3A : vector<16xi32>
      %select_n3A_1037 = arith.select %le3A_1036, %broadcast_in_dim3A_571, %broadcast_in_dim3A_573 : vector<16xi1>, vector<16xi32>
      %add3A_1038 = arith.addi %add3A_1023, %select_n3A_1037 : vector<16xi32>
      %broadcast_in_dim3A_1039 = arith.constant 15 : i32
      %broadcast_in_dim3A_1040 = vector.broadcast %broadcast_in_dim3A_1039 : i32 to vector<16xi32>
      %lt3A_1041 = arith.constant 0 : i32
      %lt3A_1042 = vector.broadcast %lt3A_1041 : i32 to vector<16xi32>
      %lt3A_1043 = arith.cmpi slt, %broadcast_in_dim3A_1040, %lt3A_1042 : vector<16xi32>
      %add3A_1044 = arith.constant 16 : i32
      %add3A_1045 = vector.broadcast %add3A_1044 : i32 to vector<16xi32>
      %add3A_1046 = arith.addi %broadcast_in_dim3A_1040, %add3A_1045 : vector<16xi32>
      %select_n3A_1047 = arith.select %lt3A_1043, %add3A_1046, %broadcast_in_dim3A_1040 : vector<16xi1>, vector<16xi32>
      %reshape3A_1048 = vector.shape_cast %select_n3A_1047 : vector<16xi32> to vector<16x1xi32>
      %gather3A_1049 = vector.shape_cast %reshape3A_1048 : vector<16x1xi32> to vector<16xi32>
      %gather3A_1050 = tpu.dynamic_gather %sub3A_565[%gather3A_1049] in [0] : vector<16xi32>, vector<16xi32> -> vector<16xi32>
      %le3A_1051 = arith.cmpi sle, %gather3A_1050, %iota3A : vector<16xi32>
      %select_n3A_1052 = arith.select %le3A_1051, %broadcast_in_dim3A_571, %broadcast_in_dim3A_573 : vector<16xi1>, vector<16xi32>
      %add3A_1053 = arith.addi %add3A_1038, %select_n3A_1052 : vector<16xi32>
      %sub3A_1054 = arith.subi %add3A_1053, %broadcast_in_dim3A_571 : vector<16xi32>
      %jit3A_1055 = arith.constant 0 : i32
      %jit3A_1056 = arith.constant 31 : i32
      %max3A = vector.broadcast %jit3A_1055 : i32 to vector<16xi32>
      %max3A_1057 = arith.maxsi %max3A, %sub3A_1054 : vector<16xi32>
      %min3A = vector.broadcast %jit3A_1056 : i32 to vector<16xi32>
      %min3A_1058 = arith.minsi %min3A, %max3A_1057 : vector<16xi32>
      %gather3A_1059 = tpu.vector_load_idx %arg10[%min3A_1058] : memref<32xi32, #tpu.memory_space<vmem>>[vector<16xi32>], vector<16xi32>,
      %mul3A_1060 = arith.constant 16 : i32
      %mul3A_1061 = vector.broadcast %mul3A_1060 : i32 to vector<16xi32>
      %mul3A_1062 = arith.muli %min3A_1058, %mul3A_1061 : vector<16xi32>
      %sub3A_1063 = arith.subi %iota3A, %gather3A_1059 : vector<16xi32>
      %add3A_1064 = arith.addi %mul3A_1062, %sub3A_1063 : vector<16xi32>
      %jit3A_1065 = arith.constant 0 : i32
      %jit3A_1066 = arith.constant 511 : i32
      %max3A_1067 = vector.broadcast %jit3A_1065 : i32 to vector<16xi32>
      %max3A_1068 = arith.maxsi %max3A_1067, %add3A_1064 : vector<16xi32>
      %min3A_1069 = vector.broadcast %jit3A_1066 : i32 to vector<16xi32>
      %min3A_1070 = arith.minsi %min3A_1069, %max3A_1068 : vector<16xi32>
      %gather3A_1071 = tpu.vector_load_idx %arg9[%min3A_1070] : memref<512xi32, #tpu.memory_space<vmem>>[vector<16xi32>], vector<16xi32>,
      %jit3A_1072 = arith.constant 0 : i32
      %jit3A_1073 = arith.constant 511 : i32
      %max3A_1074 = vector.broadcast %jit3A_1072 : i32 to vector<16xi32>
      %max3A_1075 = arith.maxsi %max3A_1074, %gather3A_1071 : vector<16xi32>
      %min3A_1076 = vector.broadcast %jit3A_1073 : i32 to vector<16xi32>
      %min3A_1077 = arith.minsi %min3A_1076, %max3A_1075 : vector<16xi32>
      %broadcast_in_dim3A_1078 = arith.constant 0.000000e+00 : f32
      %broadcast_in_dim3A_1079 = vector.broadcast %broadcast_in_dim3A_1078 : f32 to vector<16xf32>
      %broadcast_in_dim3A_1080 = arith.constant 0.000000e+00 : f32
      %broadcast_in_dim3A_1081 = vector.broadcast %broadcast_in_dim3A_1080 : f32 to vector<16xf32>
      %broadcast_in_dim3A_1082 = arith.constant 0 : i32
      %broadcast_in_dim3A_1083 = vector.broadcast %broadcast_in_dim3A_1082 : i32 to vector<16xi32>
      %lt3A_1084 = arith.constant 0 : i32
      %lt3A_1085 = vector.broadcast %lt3A_1084 : i32 to vector<16xi32>
      %lt3A_1086 = arith.cmpi slt, %broadcast_in_dim3A_1083, %lt3A_1085 : vector<16xi32>
      %add3A_1087 = arith.constant 16 : i32
      %add3A_1088 = vector.broadcast %add3A_1087 : i32 to vector<16xi32>
      %add3A_1089 = arith.addi %broadcast_in_dim3A_1083, %add3A_1088 : vector<16xi32>
      %select_n3A_1090 = arith.select %lt3A_1086, %add3A_1089, %broadcast_in_dim3A_1083 : vector<16xi1>, vector<16xi32>
      %reshape3A_1091 = vector.shape_cast %select_n3A_1090 : vector<16xi32> to vector<16x1xi32>
      %gather3A_1092 = vector.shape_cast %reshape3A_1091 : vector<16x1xi32> to vector<16xi32>
      %gather3A_1093 = tpu.dynamic_gather %min3A_1077[%gather3A_1092] in [0] : vector<16xi32>, vector<16xi32> -> vector<16xi32>
      %add3A_1094 = arith.addi %gather3A_1093, %mul3A_39 : vector<16xi32>
      %gather3A_1095 = tpu.vector_load_idx %arg7[%add3A_1094] : memref<16384xf32, #tpu.memory_space<vmem>>[vector<16xi32>], vector<16xf32>,
      %add3A_1096 = arith.addf %broadcast_in_dim3A_1079, %gather3A_1095 : vector<16xf32>
      %add3A_1097 = arith.constant 8192 : i32
      %add3A_1098 = vector.broadcast %add3A_1097 : i32 to vector<16xi32>
      %add3A_1099 = arith.addi %add3A_1094, %add3A_1098 : vector<16xi32>
      %gather3A_1100 = tpu.vector_load_idx %arg7[%add3A_1099] : memref<16384xf32, #tpu.memory_space<vmem>>[vector<16xi32>], vector<16xf32>,
      %add3A_1101 = arith.addf %broadcast_in_dim3A_1081, %gather3A_1100 : vector<16xf32>
      %broadcast_in_dim3A_1102 = arith.constant 1 : i32
      %broadcast_in_dim3A_1103 = vector.broadcast %broadcast_in_dim3A_1102 : i32 to vector<16xi32>
      %lt3A_1104 = arith.constant 0 : i32
      %lt3A_1105 = vector.broadcast %lt3A_1104 : i32 to vector<16xi32>
      %lt3A_1106 = arith.cmpi slt, %broadcast_in_dim3A_1103, %lt3A_1105 : vector<16xi32>
      %add3A_1107 = arith.constant 16 : i32
      %add3A_1108 = vector.broadcast %add3A_1107 : i32 to vector<16xi32>
      %add3A_1109 = arith.addi %broadcast_in_dim3A_1103, %add3A_1108 : vector<16xi32>
      %select_n3A_1110 = arith.select %lt3A_1106, %add3A_1109, %broadcast_in_dim3A_1103 : vector<16xi1>, vector<16xi32>
      %reshape3A_1111 = vector.shape_cast %select_n3A_1110 : vector<16xi32> to vector<16x1xi32>
      %gather3A_1112 = vector.shape_cast %reshape3A_1111 : vector<16x1xi32> to vector<16xi32>
      %gather3A_1113 = tpu.dynamic_gather %min3A_1077[%gather3A_1112] in [0] : vector<16xi32>, vector<16xi32> -> vector<16xi32>
      %add3A_1114 = arith.addi %gather3A_1113, %mul3A_39 : vector<16xi32>
      %gather3A_1115 = tpu.vector_load_idx %arg7[%add3A_1114] : memref<16384xf32, #tpu.memory_space<vmem>>[vector<16xi32>], vector<16xf32>,
      %add3A_1116 = arith.addf %add3A_1096, %gather3A_1115 : vector<16xf32>
      %add3A_1117 = arith.constant 8192 : i32
      %add3A_1118 = vector.broadcast %add3A_1117 : i32 to vector<16xi32>
      %add3A_1119 = arith.addi %add3A_1114, %add3A_1118 : vector<16xi32>
      %gather3A_1120 = tpu.vector_load_idx %arg7[%add3A_1119] : memref<16384xf32, #tpu.memory_space<vmem>>[vector<16xi32>], vector<16xf32>,
      %add3A_1121 = arith.addf %add3A_1101, %gather3A_1120 : vector<16xf32>
      %broadcast_in_dim3A_1122 = arith.constant 2 : i32
      %broadcast_in_dim3A_1123 = vector.broadcast %broadcast_in_dim3A_1122 : i32 to vector<16xi32>
      %lt3A_1124 = arith.constant 0 : i32
      %lt3A_1125 = vector.broadcast %lt3A_1124 : i32 to vector<16xi32>
      %lt3A_1126 = arith.cmpi slt, %broadcast_in_dim3A_1123, %lt3A_1125 : vector<16xi32>
      %add3A_1127 = arith.constant 16 : i32
      %add3A_1128 = vector.broadcast %add3A_1127 : i32 to vector<16xi32>
      %add3A_1129 = arith.addi %broadcast_in_dim3A_1123, %add3A_1128 : vector<16xi32>
      %select_n3A_1130 = arith.select %lt3A_1126, %add3A_1129, %broadcast_in_dim3A_1123 : vector<16xi1>, vector<16xi32>
      %reshape3A_1131 = vector.shape_cast %select_n3A_1130 : vector<16xi32> to vector<16x1xi32>
      %gather3A_1132 = vector.shape_cast %reshape3A_1131 : vector<16x1xi32> to vector<16xi32>
      %gather3A_1133 = tpu.dynamic_gather %min3A_1077[%gather3A_1132] in [0] : vector<16xi32>, vector<16xi32> -> vector<16xi32>
      %add3A_1134 = arith.addi %gather3A_1133, %mul3A_39 : vector<16xi32>
      %gather3A_1135 = tpu.vector_load_idx %arg7[%add3A_1134] : memref<16384xf32, #tpu.memory_space<vmem>>[vector<16xi32>], vector<16xf32>,
      %add3A_1136 = arith.addf %add3A_1116, %gather3A_1135 : vector<16xf32>
      %add3A_1137 = arith.constant 8192 : i32
      %add3A_1138 = vector.broadcast %add3A_1137 : i32 to vector<16xi32>
      %add3A_1139 = arith.addi %add3A_1134, %add3A_1138 : vector<16xi32>
      %gather3A_1140 = tpu.vector_load_idx %arg7[%add3A_1139] : memref<16384xf32, #tpu.memory_space<vmem>>[vector<16xi32>], vector<16xf32>,
      %add3A_1141 = arith.addf %add3A_1121, %gather3A_1140 : vector<16xf32>
      %broadcast_in_dim3A_1142 = arith.constant 3 : i32
      %broadcast_in_dim3A_1143 = vector.broadcast %broadcast_in_dim3A_1142 : i32 to vector<16xi32>
      %lt3A_1144 = arith.constant 0 : i32
      %lt3A_1145 = vector.broadcast %lt3A_1144 : i32 to vector<16xi32>
      %lt3A_1146 = arith.cmpi slt, %broadcast_in_dim3A_1143, %lt3A_1145 : vector<16xi32>
      %add3A_1147 = arith.constant 16 : i32
      %add3A_1148 = vector.broadcast %add3A_1147 : i32 to vector<16xi32>
      %add3A_1149 = arith.addi %broadcast_in_dim3A_1143, %add3A_1148 : vector<16xi32>
      %select_n3A_1150 = arith.select %lt3A_1146, %add3A_1149, %broadcast_in_dim3A_1143 : vector<16xi1>, vector<16xi32>
      %reshape3A_1151 = vector.shape_cast %select_n3A_1150 : vector<16xi32> to vector<16x1xi32>
      %gather3A_1152 = vector.shape_cast %reshape3A_1151 : vector<16x1xi32> to vector<16xi32>
      %gather3A_1153 = tpu.dynamic_gather %min3A_1077[%gather3A_1152] in [0] : vector<16xi32>, vector<16xi32> -> vector<16xi32>
      %add3A_1154 = arith.addi %gather3A_1153, %mul3A_39 : vector<16xi32>
      %gather3A_1155 = tpu.vector_load_idx %arg7[%add3A_1154] : memref<16384xf32, #tpu.memory_space<vmem>>[vector<16xi32>], vector<16xf32>,
      %add3A_1156 = arith.addf %add3A_1136, %gather3A_1155 : vector<16xf32>
      %add3A_1157 = arith.constant 8192 : i32
      %add3A_1158 = vector.broadcast %add3A_1157 : i32 to vector<16xi32>
      %add3A_1159 = arith.addi %add3A_1154, %add3A_1158 : vector<16xi32>
      %gather3A_1160 = tpu.vector_load_idx %arg7[%add3A_1159] : memref<16384xf32, #tpu.memory_space<vmem>>[vector<16xi32>], vector<16xf32>,
      %add3A_1161 = arith.addf %add3A_1141, %gather3A_1160 : vector<16xf32>
      %broadcast_in_dim3A_1162 = arith.constant 4 : i32
      %broadcast_in_dim3A_1163 = vector.broadcast %broadcast_in_dim3A_1162 : i32 to vector<16xi32>
      %lt3A_1164 = arith.constant 0 : i32
      %lt3A_1165 = vector.broadcast %lt3A_1164 : i32 to vector<16xi32>
      %lt3A_1166 = arith.cmpi slt, %broadcast_in_dim3A_1163, %lt3A_1165 : vector<16xi32>
      %add3A_1167 = arith.constant 16 : i32
      %add3A_1168 = vector.broadcast %add3A_1167 : i32 to vector<16xi32>
      %add3A_1169 = arith.addi %broadcast_in_dim3A_1163, %add3A_1168 : vector<16xi32>
      %select_n3A_1170 = arith.select %lt3A_1166, %add3A_1169, %broadcast_in_dim3A_1163 : vector<16xi1>, vector<16xi32>
      %reshape3A_1171 = vector.shape_cast %select_n3A_1170 : vector<16xi32> to vector<16x1xi32>
      %gather3A_1172 = vector.shape_cast %reshape3A_1171 : vector<16x1xi32> to vector<16xi32>
      %gather3A_1173 = tpu.dynamic_gather %min3A_1077[%gather3A_1172] in [0] : vector<16xi32>, vector<16xi32> -> vector<16xi32>
      %add3A_1174 = arith.addi %gather3A_1173, %mul3A_39 : vector<16xi32>
      %gather3A_1175 = tpu.vector_load_idx %arg7[%add3A_1174] : memref<16384xf32, #tpu.memory_space<vmem>>[vector<16xi32>], vector<16xf32>,
      %add3A_1176 = arith.addf %add3A_1156, %gather3A_1175 : vector<16xf32>
      %add3A_1177 = arith.constant 8192 : i32
      %add3A_1178 = vector.broadcast %add3A_1177 : i32 to vector<16xi32>
      %add3A_1179 = arith.addi %add3A_1174, %add3A_1178 : vector<16xi32>
      %gather3A_1180 = tpu.vector_load_idx %arg7[%add3A_1179] : memref<16384xf32, #tpu.memory_space<vmem>>[vector<16xi32>], vector<16xf32>,
      %add3A_1181 = arith.addf %add3A_1161, %gather3A_1180 : vector<16xf32>
      %broadcast_in_dim3A_1182 = arith.constant 5 : i32
      %broadcast_in_dim3A_1183 = vector.broadcast %broadcast_in_dim3A_1182 : i32 to vector<16xi32>
      %lt3A_1184 = arith.constant 0 : i32
      %lt3A_1185 = vector.broadcast %lt3A_1184 : i32 to vector<16xi32>
      %lt3A_1186 = arith.cmpi slt, %broadcast_in_dim3A_1183, %lt3A_1185 : vector<16xi32>
      %add3A_1187 = arith.constant 16 : i32
      %add3A_1188 = vector.broadcast %add3A_1187 : i32 to vector<16xi32>
      %add3A_1189 = arith.addi %broadcast_in_dim3A_1183, %add3A_1188 : vector<16xi32>
      %select_n3A_1190 = arith.select %lt3A_1186, %add3A_1189, %broadcast_in_dim3A_1183 : vector<16xi1>, vector<16xi32>
      %reshape3A_1191 = vector.shape_cast %select_n3A_1190 : vector<16xi32> to vector<16x1xi32>
      %gather3A_1192 = vector.shape_cast %reshape3A_1191 : vector<16x1xi32> to vector<16xi32>
      %gather3A_1193 = tpu.dynamic_gather %min3A_1077[%gather3A_1192] in [0] : vector<16xi32>, vector<16xi32> -> vector<16xi32>
      %add3A_1194 = arith.addi %gather3A_1193, %mul3A_39 : vector<16xi32>
      %gather3A_1195 = tpu.vector_load_idx %arg7[%add3A_1194] : memref<16384xf32, #tpu.memory_space<vmem>>[vector<16xi32>], vector<16xf32>,
      %add3A_1196 = arith.addf %add3A_1176, %gather3A_1195 : vector<16xf32>
      %add3A_1197 = arith.constant 8192 : i32
      %add3A_1198 = vector.broadcast %add3A_1197 : i32 to vector<16xi32>
      %add3A_1199 = arith.addi %add3A_1194, %add3A_1198 : vector<16xi32>
      %gather3A_1200 = tpu.vector_load_idx %arg7[%add3A_1199] : memref<16384xf32, #tpu.memory_space<vmem>>[vector<16xi32>], vector<16xf32>,
      %add3A_1201 = arith.addf %add3A_1181, %gather3A_1200 : vector<16xf32>
      %broadcast_in_dim3A_1202 = arith.constant 6 : i32
      %broadcast_in_dim3A_1203 = vector.broadcast %broadcast_in_dim3A_1202 : i32 to vector<16xi32>
      %lt3A_1204 = arith.constant 0 : i32
      %lt3A_1205 = vector.broadcast %lt3A_1204 : i32 to vector<16xi32>
      %lt3A_1206 = arith.cmpi slt, %broadcast_in_dim3A_1203, %lt3A_1205 : vector<16xi32>
      %add3A_1207 = arith.constant 16 : i32
      %add3A_1208 = vector.broadcast %add3A_1207 : i32 to vector<16xi32>
      %add3A_1209 = arith.addi %broadcast_in_dim3A_1203, %add3A_1208 : vector<16xi32>
      %select_n3A_1210 = arith.select %lt3A_1206, %add3A_1209, %broadcast_in_dim3A_1203 : vector<16xi1>, vector<16xi32>
      %reshape3A_1211 = vector.shape_cast %select_n3A_1210 : vector<16xi32> to vector<16x1xi32>
      %gather3A_1212 = vector.shape_cast %reshape3A_1211 : vector<16x1xi32> to vector<16xi32>
      %gather3A_1213 = tpu.dynamic_gather %min3A_1077[%gather3A_1212] in [0] : vector<16xi32>, vector<16xi32> -> vector<16xi32>
      %add3A_1214 = arith.addi %gather3A_1213, %mul3A_39 : vector<16xi32>
      %gather3A_1215 = tpu.vector_load_idx %arg7[%add3A_1214] : memref<16384xf32, #tpu.memory_space<vmem>>[vector<16xi32>], vector<16xf32>,
      %add3A_1216 = arith.addf %add3A_1196, %gather3A_1215 : vector<16xf32>
      %add3A_1217 = arith.constant 8192 : i32
      %add3A_1218 = vector.broadcast %add3A_1217 : i32 to vector<16xi32>
      %add3A_1219 = arith.addi %add3A_1214, %add3A_1218 : vector<16xi32>
      %gather3A_1220 = tpu.vector_load_idx %arg7[%add3A_1219] : memref<16384xf32, #tpu.memory_space<vmem>>[vector<16xi32>], vector<16xf32>,
      %add3A_1221 = arith.addf %add3A_1201, %gather3A_1220 : vector<16xf32>
      %broadcast_in_dim3A_1222 = arith.constant 7 : i32
      %broadcast_in_dim3A_1223 = vector.broadcast %broadcast_in_dim3A_1222 : i32 to vector<16xi32>
      %lt3A_1224 = arith.constant 0 : i32
      %lt3A_1225 = vector.broadcast %lt3A_1224 : i32 to vector<16xi32>
      %lt3A_1226 = arith.cmpi slt, %broadcast_in_dim3A_1223, %lt3A_1225 : vector<16xi32>
      %add3A_1227 = arith.constant 16 : i32
      %add3A_1228 = vector.broadcast %add3A_1227 : i32 to vector<16xi32>
      %add3A_1229 = arith.addi %broadcast_in_dim3A_1223, %add3A_1228 : vector<16xi32>
      %select_n3A_1230 = arith.select %lt3A_1226, %add3A_1229, %broadcast_in_dim3A_1223 : vector<16xi1>, vector<16xi32>
      %reshape3A_1231 = vector.shape_cast %select_n3A_1230 : vector<16xi32> to vector<16x1xi32>
      %gather3A_1232 = vector.shape_cast %reshape3A_1231 : vector<16x1xi32> to vector<16xi32>
      %gather3A_1233 = tpu.dynamic_gather %min3A_1077[%gather3A_1232] in [0] : vector<16xi32>, vector<16xi32> -> vector<16xi32>
      %add3A_1234 = arith.addi %gather3A_1233, %mul3A_39 : vector<16xi32>
      %gather3A_1235 = tpu.vector_load_idx %arg7[%add3A_1234] : memref<16384xf32, #tpu.memory_space<vmem>>[vector<16xi32>], vector<16xf32>,
      %add3A_1236 = arith.addf %add3A_1216, %gather3A_1235 : vector<16xf32>
      %add3A_1237 = arith.constant 8192 : i32
      %add3A_1238 = vector.broadcast %add3A_1237 : i32 to vector<16xi32>
      %add3A_1239 = arith.addi %add3A_1234, %add3A_1238 : vector<16xi32>
      %gather3A_1240 = tpu.vector_load_idx %arg7[%add3A_1239] : memref<16384xf32, #tpu.memory_space<vmem>>[vector<16xi32>], vector<16xf32>,
      %add3A_1241 = arith.addf %add3A_1221, %gather3A_1240 : vector<16xf32>
      %broadcast_in_dim3A_1242 = arith.constant 8 : i32
      %broadcast_in_dim3A_1243 = vector.broadcast %broadcast_in_dim3A_1242 : i32 to vector<16xi32>
      %lt3A_1244 = arith.constant 0 : i32
      %lt3A_1245 = vector.broadcast %lt3A_1244 : i32 to vector<16xi32>
      %lt3A_1246 = arith.cmpi slt, %broadcast_in_dim3A_1243, %lt3A_1245 : vector<16xi32>
      %add3A_1247 = arith.constant 16 : i32
      %add3A_1248 = vector.broadcast %add3A_1247 : i32 to vector<16xi32>
      %add3A_1249 = arith.addi %broadcast_in_dim3A_1243, %add3A_1248 : vector<16xi32>
      %select_n3A_1250 = arith.select %lt3A_1246, %add3A_1249, %broadcast_in_dim3A_1243 : vector<16xi1>, vector<16xi32>
      %reshape3A_1251 = vector.shape_cast %select_n3A_1250 : vector<16xi32> to vector<16x1xi32>
      %gather3A_1252 = vector.shape_cast %reshape3A_1251 : vector<16x1xi32> to vector<16xi32>
      %gather3A_1253 = tpu.dynamic_gather %min3A_1077[%gather3A_1252] in [0] : vector<16xi32>, vector<16xi32> -> vector<16xi32>
      %add3A_1254 = arith.addi %gather3A_1253, %mul3A_39 : vector<16xi32>
      %gather3A_1255 = tpu.vector_load_idx %arg7[%add3A_1254] : memref<16384xf32, #tpu.memory_space<vmem>>[vector<16xi32>], vector<16xf32>,
      %add3A_1256 = arith.addf %add3A_1236, %gather3A_1255 : vector<16xf32>
      %add3A_1257 = arith.constant 8192 : i32
      %add3A_1258 = vector.broadcast %add3A_1257 : i32 to vector<16xi32>
      %add3A_1259 = arith.addi %add3A_1254, %add3A_1258 : vector<16xi32>
      %gather3A_1260 = tpu.vector_load_idx %arg7[%add3A_1259] : memref<16384xf32, #tpu.memory_space<vmem>>[vector<16xi32>], vector<16xf32>,
      %add3A_1261 = arith.addf %add3A_1241, %gather3A_1260 : vector<16xf32>
      %broadcast_in_dim3A_1262 = arith.constant 9 : i32
      %broadcast_in_dim3A_1263 = vector.broadcast %broadcast_in_dim3A_1262 : i32 to vector<16xi32>
      %lt3A_1264 = arith.constant 0 : i32
      %lt3A_1265 = vector.broadcast %lt3A_1264 : i32 to vector<16xi32>
      %lt3A_1266 = arith.cmpi slt, %broadcast_in_dim3A_1263, %lt3A_1265 : vector<16xi32>
      %add3A_1267 = arith.constant 16 : i32
      %add3A_1268 = vector.broadcast %add3A_1267 : i32 to vector<16xi32>
      %add3A_1269 = arith.addi %broadcast_in_dim3A_1263, %add3A_1268 : vector<16xi32>
      %select_n3A_1270 = arith.select %lt3A_1266, %add3A_1269, %broadcast_in_dim3A_1263 : vector<16xi1>, vector<16xi32>
      %reshape3A_1271 = vector.shape_cast %select_n3A_1270 : vector<16xi32> to vector<16x1xi32>
      %gather3A_1272 = vector.shape_cast %reshape3A_1271 : vector<16x1xi32> to vector<16xi32>
      %gather3A_1273 = tpu.dynamic_gather %min3A_1077[%gather3A_1272] in [0] : vector<16xi32>, vector<16xi32> -> vector<16xi32>
      %add3A_1274 = arith.addi %gather3A_1273, %mul3A_39 : vector<16xi32>
      %gather3A_1275 = tpu.vector_load_idx %arg7[%add3A_1274] : memref<16384xf32, #tpu.memory_space<vmem>>[vector<16xi32>], vector<16xf32>,
      %add3A_1276 = arith.addf %add3A_1256, %gather3A_1275 : vector<16xf32>
      %add3A_1277 = arith.constant 8192 : i32
      %add3A_1278 = vector.broadcast %add3A_1277 : i32 to vector<16xi32>
      %add3A_1279 = arith.addi %add3A_1274, %add3A_1278 : vector<16xi32>
      %gather3A_1280 = tpu.vector_load_idx %arg7[%add3A_1279] : memref<16384xf32, #tpu.memory_space<vmem>>[vector<16xi32>], vector<16xf32>,
      %add3A_1281 = arith.addf %add3A_1261, %gather3A_1280 : vector<16xf32>
      %broadcast_in_dim3A_1282 = arith.constant 10 : i32
      %broadcast_in_dim3A_1283 = vector.broadcast %broadcast_in_dim3A_1282 : i32 to vector<16xi32>
      %lt3A_1284 = arith.constant 0 : i32
      %lt3A_1285 = vector.broadcast %lt3A_1284 : i32 to vector<16xi32>
      %lt3A_1286 = arith.cmpi slt, %broadcast_in_dim3A_1283, %lt3A_1285 : vector<16xi32>
      %add3A_1287 = arith.constant 16 : i32
      %add3A_1288 = vector.broadcast %add3A_1287 : i32 to vector<16xi32>
      %add3A_1289 = arith.addi %broadcast_in_dim3A_1283, %add3A_1288 : vector<16xi32>
      %select_n3A_1290 = arith.select %lt3A_1286, %add3A_1289, %broadcast_in_dim3A_1283 : vector<16xi1>, vector<16xi32>
      %reshape3A_1291 = vector.shape_cast %select_n3A_1290 : vector<16xi32> to vector<16x1xi32>
      %gather3A_1292 = vector.shape_cast %reshape3A_1291 : vector<16x1xi32> to vector<16xi32>
      %gather3A_1293 = tpu.dynamic_gather %min3A_1077[%gather3A_1292] in [0] : vector<16xi32>, vector<16xi32> -> vector<16xi32>
      %add3A_1294 = arith.addi %gather3A_1293, %mul3A_39 : vector<16xi32>
      %gather3A_1295 = tpu.vector_load_idx %arg7[%add3A_1294] : memref<16384xf32, #tpu.memory_space<vmem>>[vector<16xi32>], vector<16xf32>,
      %add3A_1296 = arith.addf %add3A_1276, %gather3A_1295 : vector<16xf32>
      %add3A_1297 = arith.constant 8192 : i32
      %add3A_1298 = vector.broadcast %add3A_1297 : i32 to vector<16xi32>
      %add3A_1299 = arith.addi %add3A_1294, %add3A_1298 : vector<16xi32>
      %gather3A_1300 = tpu.vector_load_idx %arg7[%add3A_1299] : memref<16384xf32, #tpu.memory_space<vmem>>[vector<16xi32>], vector<16xf32>,
      %add3A_1301 = arith.addf %add3A_1281, %gather3A_1300 : vector<16xf32>
      %broadcast_in_dim3A_1302 = arith.constant 11 : i32
      %broadcast_in_dim3A_1303 = vector.broadcast %broadcast_in_dim3A_1302 : i32 to vector<16xi32>
      %lt3A_1304 = arith.constant 0 : i32
      %lt3A_1305 = vector.broadcast %lt3A_1304 : i32 to vector<16xi32>
      %lt3A_1306 = arith.cmpi slt, %broadcast_in_dim3A_1303, %lt3A_1305 : vector<16xi32>
      %add3A_1307 = arith.constant 16 : i32
      %add3A_1308 = vector.broadcast %add3A_1307 : i32 to vector<16xi32>
      %add3A_1309 = arith.addi %broadcast_in_dim3A_1303, %add3A_1308 : vector<16xi32>
      %select_n3A_1310 = arith.select %lt3A_1306, %add3A_1309, %broadcast_in_dim3A_1303 : vector<16xi1>, vector<16xi32>
      %reshape3A_1311 = vector.shape_cast %select_n3A_1310 : vector<16xi32> to vector<16x1xi32>
      %gather3A_1312 = vector.shape_cast %reshape3A_1311 : vector<16x1xi32> to vector<16xi32>
      %gather3A_1313 = tpu.dynamic_gather %min3A_1077[%gather3A_1312] in [0] : vector<16xi32>, vector<16xi32> -> vector<16xi32>
      %add3A_1314 = arith.addi %gather3A_1313, %mul3A_39 : vector<16xi32>
      %gather3A_1315 = tpu.vector_load_idx %arg7[%add3A_1314] : memref<16384xf32, #tpu.memory_space<vmem>>[vector<16xi32>], vector<16xf32>,
      %add3A_1316 = arith.addf %add3A_1296, %gather3A_1315 : vector<16xf32>
      %add3A_1317 = arith.constant 8192 : i32
      %add3A_1318 = vector.broadcast %add3A_1317 : i32 to vector<16xi32>
      %add3A_1319 = arith.addi %add3A_1314, %add3A_1318 : vector<16xi32>
      %gather3A_1320 = tpu.vector_load_idx %arg7[%add3A_1319] : memref<16384xf32, #tpu.memory_space<vmem>>[vector<16xi32>], vector<16xf32>,
      %add3A_1321 = arith.addf %add3A_1301, %gather3A_1320 : vector<16xf32>
      %broadcast_in_dim3A_1322 = arith.constant 12 : i32
      %broadcast_in_dim3A_1323 = vector.broadcast %broadcast_in_dim3A_1322 : i32 to vector<16xi32>
      %lt3A_1324 = arith.constant 0 : i32
      %lt3A_1325 = vector.broadcast %lt3A_1324 : i32 to vector<16xi32>
      %lt3A_1326 = arith.cmpi slt, %broadcast_in_dim3A_1323, %lt3A_1325 : vector<16xi32>
      %add3A_1327 = arith.constant 16 : i32
      %add3A_1328 = vector.broadcast %add3A_1327 : i32 to vector<16xi32>
      %add3A_1329 = arith.addi %broadcast_in_dim3A_1323, %add3A_1328 : vector<16xi32>
      %select_n3A_1330 = arith.select %lt3A_1326, %add3A_1329, %broadcast_in_dim3A_1323 : vector<16xi1>, vector<16xi32>
      %reshape3A_1331 = vector.shape_cast %select_n3A_1330 : vector<16xi32> to vector<16x1xi32>
      %gather3A_1332 = vector.shape_cast %reshape3A_1331 : vector<16x1xi32> to vector<16xi32>
      %gather3A_1333 = tpu.dynamic_gather %min3A_1077[%gather3A_1332] in [0] : vector<16xi32>, vector<16xi32> -> vector<16xi32>
      %add3A_1334 = arith.addi %gather3A_1333, %mul3A_39 : vector<16xi32>
      %gather3A_1335 = tpu.vector_load_idx %arg7[%add3A_1334] : memref<16384xf32, #tpu.memory_space<vmem>>[vector<16xi32>], vector<16xf32>,
      %add3A_1336 = arith.addf %add3A_1316, %gather3A_1335 : vector<16xf32>
      %add3A_1337 = arith.constant 8192 : i32
      %add3A_1338 = vector.broadcast %add3A_1337 : i32 to vector<16xi32>
      %add3A_1339 = arith.addi %add3A_1334, %add3A_1338 : vector<16xi32>
      %gather3A_1340 = tpu.vector_load_idx %arg7[%add3A_1339] : memref<16384xf32, #tpu.memory_space<vmem>>[vector<16xi32>], vector<16xf32>,
      %add3A_1341 = arith.addf %add3A_1321, %gather3A_1340 : vector<16xf32>
      %broadcast_in_dim3A_1342 = arith.constant 13 : i32
      %broadcast_in_dim3A_1343 = vector.broadcast %broadcast_in_dim3A_1342 : i32 to vector<16xi32>
      %lt3A_1344 = arith.constant 0 : i32
      %lt3A_1345 = vector.broadcast %lt3A_1344 : i32 to vector<16xi32>
      %lt3A_1346 = arith.cmpi slt, %broadcast_in_dim3A_1343, %lt3A_1345 : vector<16xi32>
      %add3A_1347 = arith.constant 16 : i32
      %add3A_1348 = vector.broadcast %add3A_1347 : i32 to vector<16xi32>
      %add3A_1349 = arith.addi %broadcast_in_dim3A_1343, %add3A_1348 : vector<16xi32>
      %select_n3A_1350 = arith.select %lt3A_1346, %add3A_1349, %broadcast_in_dim3A_1343 : vector<16xi1>, vector<16xi32>
      %reshape3A_1351 = vector.shape_cast %select_n3A_1350 : vector<16xi32> to vector<16x1xi32>
      %gather3A_1352 = vector.shape_cast %reshape3A_1351 : vector<16x1xi32> to vector<16xi32>
      %gather3A_1353 = tpu.dynamic_gather %min3A_1077[%gather3A_1352] in [0] : vector<16xi32>, vector<16xi32> -> vector<16xi32>
      %add3A_1354 = arith.addi %gather3A_1353, %mul3A_39 : vector<16xi32>
      %gather3A_1355 = tpu.vector_load_idx %arg7[%add3A_1354] : memref<16384xf32, #tpu.memory_space<vmem>>[vector<16xi32>], vector<16xf32>,
      %add3A_1356 = arith.addf %add3A_1336, %gather3A_1355 : vector<16xf32>
      %add3A_1357 = arith.constant 8192 : i32
      %add3A_1358 = vector.broadcast %add3A_1357 : i32 to vector<16xi32>
      %add3A_1359 = arith.addi %add3A_1354, %add3A_1358 : vector<16xi32>
      %gather3A_1360 = tpu.vector_load_idx %arg7[%add3A_1359] : memref<16384xf32, #tpu.memory_space<vmem>>[vector<16xi32>], vector<16xf32>,
      %add3A_1361 = arith.addf %add3A_1341, %gather3A_1360 : vector<16xf32>
      %broadcast_in_dim3A_1362 = arith.constant 14 : i32
      %broadcast_in_dim3A_1363 = vector.broadcast %broadcast_in_dim3A_1362 : i32 to vector<16xi32>
      %lt3A_1364 = arith.constant 0 : i32
      %lt3A_1365 = vector.broadcast %lt3A_1364 : i32 to vector<16xi32>
      %lt3A_1366 = arith.cmpi slt, %broadcast_in_dim3A_1363, %lt3A_1365 : vector<16xi32>
      %add3A_1367 = arith.constant 16 : i32
      %add3A_1368 = vector.broadcast %add3A_1367 : i32 to vector<16xi32>
      %add3A_1369 = arith.addi %broadcast_in_dim3A_1363, %add3A_1368 : vector<16xi32>
      %select_n3A_1370 = arith.select %lt3A_1366, %add3A_1369, %broadcast_in_dim3A_1363 : vector<16xi1>, vector<16xi32>
      %reshape3A_1371 = vector.shape_cast %select_n3A_1370 : vector<16xi32> to vector<16x1xi32>
      %gather3A_1372 = vector.shape_cast %reshape3A_1371 : vector<16x1xi32> to vector<16xi32>
      %gather3A_1373 = tpu.dynamic_gather %min3A_1077[%gather3A_1372] in [0] : vector<16xi32>, vector<16xi32> -> vector<16xi32>
      %add3A_1374 = arith.addi %gather3A_1373, %mul3A_39 : vector<16xi32>
      %gather3A_1375 = tpu.vector_load_idx %arg7[%add3A_1374] : memref<16384xf32, #tpu.memory_space<vmem>>[vector<16xi32>], vector<16xf32>,
      %add3A_1376 = arith.addf %add3A_1356, %gather3A_1375 : vector<16xf32>
      %add3A_1377 = arith.constant 8192 : i32
      %add3A_1378 = vector.broadcast %add3A_1377 : i32 to vector<16xi32>
      %add3A_1379 = arith.addi %add3A_1374, %add3A_1378 : vector<16xi32>
      %gather3A_1380 = tpu.vector_load_idx %arg7[%add3A_1379] : memref<16384xf32, #tpu.memory_space<vmem>>[vector<16xi32>], vector<16xf32>,
      %add3A_1381 = arith.addf %add3A_1361, %gather3A_1380 : vector<16xf32>
      %broadcast_in_dim3A_1382 = arith.constant 15 : i32
      %broadcast_in_dim3A_1383 = vector.broadcast %broadcast_in_dim3A_1382 : i32 to vector<16xi32>
      %lt3A_1384 = arith.constant 0 : i32
      %lt3A_1385 = vector.broadcast %lt3A_1384 : i32 to vector<16xi32>
      %lt3A_1386 = arith.cmpi slt, %broadcast_in_dim3A_1383, %lt3A_1385 : vector<16xi32>
      %add3A_1387 = arith.constant 16 : i32
      %add3A_1388 = vector.broadcast %add3A_1387 : i32 to vector<16xi32>
      %add3A_1389 = arith.addi %broadcast_in_dim3A_1383, %add3A_1388 : vector<16xi32>
      %select_n3A_1390 = arith.select %lt3A_1386, %add3A_1389, %broadcast_in_dim3A_1383 : vector<16xi1>, vector<16xi32>
      %reshape3A_1391 = vector.shape_cast %select_n3A_1390 : vector<16xi32> to vector<16x1xi32>
      %gather3A_1392 = vector.shape_cast %reshape3A_1391 : vector<16x1xi32> to vector<16xi32>
      %gather3A_1393 = tpu.dynamic_gather %min3A_1077[%gather3A_1392] in [0] : vector<16xi32>, vector<16xi32> -> vector<16xi32>
      %add3A_1394 = arith.addi %gather3A_1393, %mul3A_39 : vector<16xi32>
      %gather3A_1395 = tpu.vector_load_idx %arg7[%add3A_1394] : memref<16384xf32, #tpu.memory_space<vmem>>[vector<16xi32>], vector<16xf32>,
      %add3A_1396 = arith.addf %add3A_1376, %gather3A_1395 : vector<16xf32>
      %add3A_1397 = arith.constant 8192 : i32
      %add3A_1398 = vector.broadcast %add3A_1397 : i32 to vector<16xi32>
      %add3A_1399 = arith.addi %add3A_1394, %add3A_1398 : vector<16xi32>
      %gather3A_1400 = tpu.vector_load_idx %arg7[%add3A_1399] : memref<16384xf32, #tpu.memory_space<vmem>>[vector<16xi32>], vector<16xf32>,
      %add3A_1401 = arith.addf %add3A_1381, %gather3A_1400 : vector<16xf32>
      %mul3A_1402 = arith.constant 6.250000e-02 : f32
      %mul3A_1403 = vector.broadcast %mul3A_1402 : f32 to vector<16xf32>
      %mul3A_1404 = arith.mulf %add3A_1396, %mul3A_1403 : vector<16xf32>
      %mul3A_1405 = arith.constant 6.250000e-02 : f32
      %mul3A_1406 = vector.broadcast %mul3A_1405 : f32 to vector<16xf32>
      %mul3A_1407 = arith.mulf %add3A_1401, %mul3A_1406 : vector<16xf32>
      %broadcast_in_dim3A_1408 = arith.constant 0 : i32
      %broadcast_in_dim3A_1409 = vector.broadcast %broadcast_in_dim3A_1408 : i32 to vector<16xi32>
      %add3A_1410 = vector.broadcast %scan3A_45 : i32 to vector<16xi32>
      %add3A_1411 = arith.addi %broadcast_in_dim3A_1409, %add3A_1410 : vector<16xi32>
      tpu.vector_store_idx %arg11[%iota3A, %add3A_1411], %mul3A_1404 : memref<32x128xf32, #tpu.memory_space<vmem>>[vector<16xi32>, vector<16xi32>], vector<16xf32>,
      %add3A_1412 = arith.constant 16 : i32
      %add3A_1413 = vector.broadcast %add3A_1412 : i32 to vector<16xi32>
      %add3A_1414 = arith.addi %iota3A, %add3A_1413 : vector<16xi32>
      tpu.vector_store_idx %arg11[%add3A_1414, %add3A_1411], %mul3A_1407 : memref<32x128xf32, #tpu.memory_space<vmem>>[vector<16xi32>, vector<16xi32>], vector<16xf32>,
    }
    %scan3A_44 = arith.constant 128 : i32
    "tpu.region"() ({
      %run_scoped3A = tpu.sem_alloc : memref<!tpu.dma_semaphore, #tpu.memory_space<semaphore_mem>>
      %dma_start3A = arith.constant 0 : i32
      %dma_start3A_45 = tpu.memref_slice %arg5[%select_n3A, %dma_start3A, %mul3A_32] : memref<8x32x512xf32, #tpu.memory_space<hbm>> -> memref<1x32x128xf32, #tpu.memory_space<hbm>>
      %dma_start3A_46 = tpu.memref_squeeze %dma_start3A_45 : memref<1x32x128xf32, #tpu.memory_space<hbm>> -> memref<32x128xf32, #tpu.memory_space<hbm>>
      %dma_start3A_47 = arith.constant 0 : i32
      %dma_start3A_48 = tpu.memref_slice %arg5[%select_n3A, %dma_start3A_47, %mul3A_32] : memref<8x32x512xf32, #tpu.memory_space<hbm>> -> memref<1x32x128xf32, #tpu.memory_space<hbm>>
      %dma_start3A_49 = tpu.memref_squeeze %dma_start3A_48 : memref<1x32x128xf32, #tpu.memory_space<hbm>> -> memref<32x128xf32, #tpu.memory_space<hbm>>
      tpu.enqueue_dma source(%arg11 : memref<32x128xf32, #tpu.memory_space<vmem>>) target(%dma_start3A_49 : memref<32x128xf32, #tpu.memory_space<hbm>>) target_semaphore(%run_scoped3A : memref<!tpu.dma_semaphore, #tpu.memory_space<semaphore_mem>>)
      %dma_wait3A = arith.constant 0 : i32
      %dma_wait3A_50 = tpu.memref_slice %arg5[%select_n3A, %dma_wait3A, %mul3A_32] : memref<8x32x512xf32, #tpu.memory_space<hbm>> -> memref<1x32x128xf32, #tpu.memory_space<hbm>>
      %dma_wait3A_51 = tpu.memref_squeeze %dma_wait3A_50 : memref<1x32x128xf32, #tpu.memory_space<hbm>> -> memref<32x128xf32, #tpu.memory_space<hbm>>
      %dma_wait3A_52 = arith.constant 0 : i32
      %dma_wait3A_53 = tpu.memref_slice %arg5[%select_n3A, %dma_wait3A_52, %mul3A_32] : memref<8x32x512xf32, #tpu.memory_space<hbm>> -> memref<1x32x128xf32, #tpu.memory_space<hbm>>
      %dma_wait3A_54 = tpu.memref_squeeze %dma_wait3A_53 : memref<1x32x128xf32, #tpu.memory_space<hbm>> -> memref<32x128xf32, #tpu.memory_space<hbm>>
      tpu.wait_dma2 semaphore(%run_scoped3A : memref<!tpu.dma_semaphore, #tpu.memory_space<semaphore_mem>>) src(%arg11 : memref<32x128xf32, #tpu.memory_space<vmem>>) dst(%dma_wait3A_54 : memref<32x128xf32, #tpu.memory_space<hbm>>)
      tpu.yield
    }) : () -> ()
    return
  }
}

module attributes {stable_mosaic.version = 14 : i64} {
  func.func @_mlp_kernel(%arg0: i32, %arg1: memref<8x4096xf32, #tpu.memory_space<vmem>>, %arg2: memref<512x4096xf32, #tpu.memory_space<vmem>>, %arg3: memref<1x512xf32, #tpu.memory_space<vmem>>, %arg4: memref<8x512xf32, #tpu.memory_space<vmem>>) attributes {dimension_semantics = [#tpu.dimension_semantics<arbitrary>], iteration_bounds = array<i64: 32>, scalar_prefetch = 0 : i64, scratch_operands = 0 : i64, tpu.core_type = #tpu.core_type<tc>, window_params = [{pipeline_mode = #tpu.pipeline_mode<synchronous>, transform_indices = @transform_0, window_bounds = array<i64: 8, 4096>}, {transform_indices = @transform_1, window_bounds = array<i64: 512, 4096>}, {transform_indices = @transform_2, window_bounds = array<i64: 1, 512>}, {transform_indices = @transform_3, window_bounds = array<i64: 8, 512>}]} {
    %get3A = arith.constant 0 : index
    %get3A_0 = arith.constant 0 : index
    %get3A_1 = vector.load %arg1[%get3A, %get3A_0] : memref<8x4096xf32, #tpu.memory_space<vmem>>, vector<8x4096xf32>
    %convert_element_type3A = arith.truncf %get3A_1 : vector<8x4096xf32> to vector<8x4096xbf16>
    %get3A_2 = arith.constant 0 : index
    %get3A_3 = arith.constant 0 : index
    %get3A_4 = vector.load %arg2[%get3A_2, %get3A_3] : memref<512x4096xf32, #tpu.memory_space<vmem>>, vector<512x4096xf32>
    %convert_element_type3A_5 = arith.truncf %get3A_4 : vector<512x4096xf32> to vector<512x4096xbf16>
    %dot_general3A = arith.constant dense<0.000000e+00> : vector<8x512xf32>
    %dot_general3A_6 = tpu.matmul %convert_element_type3A, %convert_element_type3A_5, %dot_general3A {dimension_numbers = #tpu.dot_dimension_numbers<[1], [1], [0], [0], [0, 0, 1, 0], [], []>, transpose_lhs_hint = false} : vector<8x4096xbf16>, vector<512x4096xbf16>, vector<8x512xf32> -> vector<8x512xf32>
    %get3A_7 = arith.constant 0 : index
    %get3A_8 = arith.constant 0 : index
    %get3A_9 = vector.load %arg3[%get3A_7, %get3A_8] : memref<1x512xf32, #tpu.memory_space<vmem>>, vector<1x512xf32>
    %add3A = vector.broadcast %get3A_9 : vector<1x512xf32> to vector<8x512xf32>
    %add3A_10 = arith.addf %dot_general3A_6, %add3A : vector<8x512xf32>
    %swap3A = arith.constant 0 : index
    %swap3A_11 = arith.constant 0 : index
    %swap3A_12 = vector.load %arg4[%swap3A, %swap3A_11] : memref<8x512xf32, #tpu.memory_space<vmem>>, vector<8x512xf32>
    tpu.vector_store %arg4[%swap3A, %swap3A_11], %add3A_10 {strides = array<i32>} : memref<8x512xf32, #tpu.memory_space<vmem>>, vector<8x512xf32>,
    return
  }
  func.func @transform_0(%arg0: i32) -> (i32, i32) {
    %c0_i32 = arith.constant 0 : i32
    %c0_i32_0 = arith.constant 0 : i32
    %c0_i32_1 = arith.constant 0 : i32
    return %c0_i32, %c0_i32_0 : i32, i32
  }
  func.func @transform_1(%arg0: i32) -> (i32, i32) {
    %c0_i32 = arith.constant 0 : i32
    %c0_i32_0 = arith.constant 0 : i32
    return %arg0, %c0_i32 : i32, i32
  }
  func.func @transform_2(%arg0: i32) -> (i32, i32) {
    %c0_i32 = arith.constant 0 : i32
    %c0_i32_0 = arith.constant 0 : i32
    return %c0_i32, %arg0 : i32, i32
  }
  func.func @transform_3(%arg0: i32) -> (i32, i32) {
    %c0_i32 = arith.constant 0 : i32
    %c0_i32_0 = arith.constant 0 : i32
    return %c0_i32, %arg0 : i32, i32
  }
}

module attributes {stable_mosaic.version = 14 : i64} {
  func.func @_prep_kernel(%arg0: i32, %arg1: memref<1x32x512xf32, #tpu.memory_space<vmem>>, %arg2: memref<32x32xf32, #tpu.memory_space<vmem>>, %arg3: memref<32x1xf32, #tpu.memory_space<vmem>>, %arg4: memref<1x512x512xf32, #tpu.memory_space<vmem>>, %arg5: memref<1x32x512xf32, #tpu.memory_space<vmem>>, %arg6: memref<1x1x512xf32, #tpu.memory_space<vmem>>) attributes {dimension_semantics = [#tpu.dimension_semantics<arbitrary>], iteration_bounds = array<i64: 8>, scalar_prefetch = 0 : i64, scratch_operands = 0 : i64, tpu.core_type = #tpu.core_type<tc>, window_params = [{transform_indices = @transform_0, window_bounds = array<i64: 1, 32, 512>}, {pipeline_mode = #tpu.pipeline_mode<synchronous>, transform_indices = @transform_1, window_bounds = array<i64: 32, 32>}, {pipeline_mode = #tpu.pipeline_mode<synchronous>, transform_indices = @transform_2, window_bounds = array<i64: 32, 1>}, {transform_indices = @transform_3, window_bounds = array<i64: 1, 512, 512>}, {transform_indices = @transform_4, window_bounds = array<i64: 1, 32, 512>}, {transform_indices = @transform_5, window_bounds = array<i64: 1, 1, 512>}]} {
    %get3A = arith.constant 0 : index
    %get3A_0 = arith.constant 0 : index
    %get3A_1 = arith.constant 0 : index
    %get3A_2 = vector.load %arg1[%get3A, %get3A_0, %get3A_1] : memref<1x32x512xf32, #tpu.memory_space<vmem>>, vector<1x32x512xf32>
    %get3A_3 = vector.shape_cast %get3A_2 : vector<1x32x512xf32> to vector<32x512xf32>
    %dot_general3A = arith.constant dense<0.000000e+00> : vector<512x512xf32>
    %dot_general3A_4 = tpu.matmul %get3A_3, %get3A_3, %dot_general3A {dimension_numbers = #tpu.dot_dimension_numbers<[0], [0], [1], [1], [0, 1, 1, 1], [], []>, precision = #tpu.contract_precision<fp32>, transpose_lhs_hint = false} : vector<32x512xf32>, vector<32x512xf32>, vector<512x512xf32> -> vector<512x512xf32>
    %mul3A = arith.mulf %get3A_3, %get3A_3 : vector<32x512xf32>
    %reduce_sum3A = arith.constant dense<0.000000e+00> : vector<512xf32>
    %reduce_sum3A_5 = vector.multi_reduction <add>, %mul3A, %reduce_sum3A [0] : vector<32x512xf32> to vector<512xf32>
    %broadcast_in_dim3A = vector.shape_cast %reduce_sum3A_5 : vector<512xf32> to vector<1x512xf32>
    %broadcast_in_dim3A_6 = arith.constant 1.000000e+00 : f32
    %broadcast_in_dim3A_7 = vector.broadcast %broadcast_in_dim3A_6 : f32 to vector<32x1xf32>
    %dot_general3A_8 = arith.constant dense<0.000000e+00> : vector<512x1xf32>
    %dot_general3A_9 = tpu.matmul %mul3A, %broadcast_in_dim3A_7, %dot_general3A_8 {dimension_numbers = #tpu.dot_dimension_numbers<[0], [0], [1], [1], [0, 1, 1, 1], [], []>, precision = #tpu.contract_precision<fp32>, transpose_lhs_hint = false} : vector<32x512xf32>, vector<32x1xf32>, vector<512x1xf32> -> vector<512x1xf32>
    %add3A = vector.broadcast %dot_general3A_9 : vector<512x1xf32> to vector<512x512xf32>
    %add3A_10 = vector.broadcast %broadcast_in_dim3A : vector<1x512xf32> to vector<512x512xf32>
    %add3A_11 = arith.addf %add3A, %add3A_10 : vector<512x512xf32>
    %mul3A_12 = arith.constant 2.000000e+00 : f32
    %mul3A_13 = vector.broadcast %mul3A_12 : f32 to vector<512x512xf32>
    %mul3A_14 = arith.mulf %mul3A_13, %dot_general3A_4 : vector<512x512xf32>
    %sub3A = arith.subf %add3A_11, %mul3A_14 : vector<512x512xf32>
    %transpose3A = tpu.transpose %sub3A, [1, 0] : vector<512x512xf32> -> vector<512x512xf32>
    %add3A_15 = arith.addf %sub3A, %transpose3A : vector<512x512xf32>
    %mul3A_16 = arith.constant 5.000000e-01 : f32
    %mul3A_17 = vector.broadcast %mul3A_16 : f32 to vector<512x512xf32>
    %mul3A_18 = arith.mulf %mul3A_17, %add3A_15 : vector<512x512xf32>
    %swap3A = arith.constant 0 : index
    %swap3A_19 = arith.constant 0 : index
    %swap3A_20 = arith.constant 0 : index
    %swap3A_21 = vector.load %arg4[%swap3A, %swap3A_19, %swap3A_20] : memref<1x512x512xf32, #tpu.memory_space<vmem>>, vector<1x512x512xf32>
    %swap3A_22 = vector.shape_cast %swap3A_21 : vector<1x512x512xf32> to vector<512x512xf32>
    %swap3A_23 = vector.shape_cast %mul3A_18 : vector<512x512xf32> to vector<1x512x512xf32>
    tpu.vector_store %arg4[%swap3A, %swap3A_19, %swap3A_20], %swap3A_23 {strides = array<i32>} : memref<1x512x512xf32, #tpu.memory_space<vmem>>, vector<1x512x512xf32>,
    %reduce_min3A = arith.constant dense<0x7F800000> : vector<512xf32>
    %reduce_min3A_24 = vector.multi_reduction <minimumf>, %mul3A_18, %reduce_min3A [0] : vector<512x512xf32> to vector<512xf32>
    %broadcast_in_dim3A_25 = vector.shape_cast %reduce_min3A_24 : vector<512xf32> to vector<1x512xf32>
    %sub3A_26 = arith.constant 1.000000e-03 : f32
    %sub3A_27 = vector.broadcast %sub3A_26 : f32 to vector<1x512xf32>
    %sub3A_28 = arith.subf %broadcast_in_dim3A_25, %sub3A_27 : vector<1x512xf32>
    %reduce_max3A = arith.constant dense<0xFF800000> : vector<512xf32>
    %reduce_max3A_29 = vector.multi_reduction <maximumf>, %mul3A_18, %reduce_max3A [0] : vector<512x512xf32> to vector<512xf32>
    %broadcast_in_dim3A_30 = vector.shape_cast %reduce_max3A_29 : vector<512xf32> to vector<1x512xf32>
    %add3A_31 = arith.constant 1.000000e-03 : f32
    %add3A_32 = vector.broadcast %add3A_31 : f32 to vector<1x512xf32>
    %add3A_33 = arith.addf %broadcast_in_dim3A_30, %add3A_32 : vector<1x512xf32>
    %scan3A = arith.constant 0 : i32
    %scan3A_34 = arith.constant 28 : i32
    %scan3A_35 = arith.addi %scan3A, %scan3A_34 : i32
    %scan3A_36 = arith.constant 1 : i32
    %scan3A_37:2 = scf.for %scan3A_60 = %scan3A to %scan3A_35 step %scan3A_36 iter_args(%scan3A_61 = %sub3A_28, %scan3A_62 = %add3A_33) -> (vector<1x512xf32>, vector<1x512xf32>)  : i32 {
      %add3A_63 = arith.addf %scan3A_61, %scan3A_62 : vector<1x512xf32>
      %mul3A_64 = arith.constant 5.000000e-01 : f32
      %mul3A_65 = vector.broadcast %mul3A_64 : f32 to vector<1x512xf32>
      %mul3A_66 = arith.mulf %mul3A_65, %add3A_63 : vector<1x512xf32>
      %le3A = vector.broadcast %mul3A_66 : vector<1x512xf32> to vector<512x512xf32>
      %le3A_67 = arith.cmpf ole, %mul3A_18, %le3A : vector<512x512xf32>
      %convert_element_type3A = arith.extui %le3A_67 : vector<512x512xi1> to vector<512x512xi32>
      %convert_element_type3A_68 = arith.sitofp %convert_element_type3A : vector<512x512xi32> to vector<512x512xf32>
      %reduce_sum3A_69 = arith.constant dense<0.000000e+00> : vector<512xf32>
      %reduce_sum3A_70 = vector.multi_reduction <add>, %convert_element_type3A_68, %reduce_sum3A_69 [0] : vector<512x512xf32> to vector<512xf32>
      %broadcast_in_dim3A_71 = vector.shape_cast %reduce_sum3A_70 : vector<512xf32> to vector<1x512xf32>
      %ge3A = arith.constant 1.600000e+01 : f32
      %ge3A_72 = vector.broadcast %ge3A : f32 to vector<1x512xf32>
      %ge3A_73 = arith.cmpf oge, %broadcast_in_dim3A_71, %ge3A_72 : vector<1x512xf32>
      %select_n3A = arith.select %ge3A_73, %scan3A_61, %mul3A_66 : vector<1x512xi1>, vector<1x512xf32>
      %select_n3A_74 = arith.select %ge3A_73, %mul3A_66, %scan3A_62 : vector<1x512xi1>, vector<1x512xf32>
      scf.yield %select_n3A, %select_n3A_74 : vector<1x512xf32>, vector<1x512xf32>
    }
    %swap3A_38 = arith.constant 0 : index
    %swap3A_39 = arith.constant 0 : index
    %swap3A_40 = arith.constant 0 : index
    %swap3A_41 = vector.load %arg6[%swap3A_38, %swap3A_39, %swap3A_40] : memref<1x1x512xf32, #tpu.memory_space<vmem>>, vector<1x1x512xf32>
    %swap3A_42 = vector.shape_cast %swap3A_41 : vector<1x1x512xf32> to vector<1x512xf32>
    %swap3A_43 = vector.shape_cast %scan3A_37#1 : vector<1x512xf32> to vector<1x1x512xf32>
    tpu.vector_store %arg6[%swap3A_38, %swap3A_39, %swap3A_40], %swap3A_43 {strides = array<i32>} : memref<1x1x512xf32, #tpu.memory_space<vmem>>, vector<1x1x512xf32>,
    %get3A_44 = arith.constant 0 : index
    %get3A_45 = arith.constant 0 : index
    %get3A_46 = vector.load %arg2[%get3A_44, %get3A_45] : memref<32x32xf32, #tpu.memory_space<vmem>>, vector<32x32xf32>
    %dot_general3A_47 = arith.constant dense<0.000000e+00> : vector<32x512xf32>
    %dot_general3A_48 = tpu.matmul %get3A_46, %get3A_3, %dot_general3A_47 {dimension_numbers = #tpu.dot_dimension_numbers<[1], [0], [0], [1], [0, 0, 1, 1], [], []>, precision = #tpu.contract_precision<fp32>, transpose_lhs_hint = false} : vector<32x32xf32>, vector<32x512xf32>, vector<32x512xf32> -> vector<32x512xf32>
    %get3A_49 = arith.constant 0 : index
    %get3A_50 = arith.constant 0 : index
    %get3A_51 = vector.load %arg3[%get3A_49, %get3A_50] : memref<32x1xf32, #tpu.memory_space<vmem>>, vector<32x1xf32>
    %add3A_52 = vector.broadcast %get3A_51 : vector<32x1xf32> to vector<32x512xf32>
    %add3A_53 = arith.addf %dot_general3A_48, %add3A_52 : vector<32x512xf32>
    %swap3A_54 = arith.constant 0 : index
    %swap3A_55 = arith.constant 0 : index
    %swap3A_56 = arith.constant 0 : index
    %swap3A_57 = vector.load %arg5[%swap3A_54, %swap3A_55, %swap3A_56] : memref<1x32x512xf32, #tpu.memory_space<vmem>>, vector<1x32x512xf32>
    %swap3A_58 = vector.shape_cast %swap3A_57 : vector<1x32x512xf32> to vector<32x512xf32>
    %swap3A_59 = vector.shape_cast %add3A_53 : vector<32x512xf32> to vector<1x32x512xf32>
    tpu.vector_store %arg5[%swap3A_54, %swap3A_55, %swap3A_56], %swap3A_59 {strides = array<i32>} : memref<1x32x512xf32, #tpu.memory_space<vmem>>, vector<1x32x512xf32>,
    return
  }
  func.func @transform_0(%arg0: i32) -> (i32, i32, i32) {
    %c0_i32 = arith.constant 0 : i32
    %c0_i32_0 = arith.constant 0 : i32
    %c0_i32_1 = arith.constant 0 : i32
    return %arg0, %c0_i32, %c0_i32_0 : i32, i32, i32
  }
  func.func @transform_1(%arg0: i32) -> (i32, i32) {
    %c0_i32 = arith.constant 0 : i32
    %c0_i32_0 = arith.constant 0 : i32
    %c0_i32_1 = arith.constant 0 : i32
    return %c0_i32, %c0_i32_0 : i32, i32
  }
  func.func @transform_2(%arg0: i32) -> (i32, i32) {
    %c0_i32 = arith.constant 0 : i32
    %c0_i32_0 = arith.constant 0 : i32
    %c0_i32_1 = arith.constant 0 : i32
    return %c0_i32, %c0_i32_0 : i32, i32
  }
  func.func @transform_3(%arg0: i32) -> (i32, i32, i32) {
    %c0_i32 = arith.constant 0 : i32
    %c0_i32_0 = arith.constant 0 : i32
    %c0_i32_1 = arith.constant 0 : i32
    return %arg0, %c0_i32, %c0_i32_0 : i32, i32, i32
  }
  func.func @transform_4(%arg0: i32) -> (i32, i32, i32) {
    %c0_i32 = arith.constant 0 : i32
    %c0_i32_0 = arith.constant 0 : i32
    %c0_i32_1 = arith.constant 0 : i32
    return %arg0, %c0_i32, %c0_i32_0 : i32, i32, i32
  }
  func.func @transform_5(%arg0: i32) -> (i32, i32, i32) {
    %c0_i32 = arith.constant 0 : i32
    %c0_i32_0 = arith.constant 0 : i32
    %c0_i32_1 = arith.constant 0 : i32
    return %arg0, %c0_i32, %c0_i32_0 : i32, i32, i32
  }
}

</mosaic_0001>

<sc_bundles>
// kernel: kernel.5.cloned.1.call-start
scs
__scs_entry_jumppad:
0x0: {  	(pc) =	sbr.rel $0x88, $3  }
0x1: {  	(tag) =	ssettag $0x0;
	lr =	simm.s32 $0x1  }
0x2: {  	[smem:$0x3F9C] =	sst lr;
	_ =	strace $0xD0000000  }
0x3: {  	_ = 	snop  }
0x4: {  	_ = 	snop  }
0x5: {  	_ = 	snop  }
0x6: {  	_ = 	snop  }
0x7: {  	_ = 	snop  }
__scs_overlays_trampoline_lowered:
0x8: {  	[smem:$0x3FAB] =	sst s0  }
0x9: {  	[smem:$0x3FAC] =	sst s1  }
0xa: {  	[smem:$0x3FAD] =	sst s2  }
0xb: {  	[smem:$0x3FAE] =	sst s3  }
0xc: {  	[smem:$0x3FAF] =	sst s4  }
0xd: {  	[smem:$0x3FB0] =	sst s5  }
0xe: {  	[smem:$0x3FB1] =	sst s6  }
0xf: {  	[smem:$0x3FB2] =	sst s7  }
0x10: {  	[smem:$0x3FB3] =	sst s8  }
0x11: {  	[smem:$0x3FB4] =	sst s9;
	s0 =	simm.s32 @!p0 $0x0  }
0x12: {  	s1 =	sld [smem:$0x3F9A];
	s0 =	simm.s32 @p0 $0x1  }
0x13: {  	[smem:$0x3FB5] =	sst s0;
	s0 =	simm.s32 @!p1 $0x0  }
0x14: {  	s2 =	sld [smem:$0x3F99];
	s0 =	simm.s32 @p1 $0x1  }
0x15: {  	[smem:$0x3FB6] =	sst s0;
	s0 =	simm.s32 @!p2 $0x0  }
0x16: {  	s3 =	sld [smem:$0x3FDB];
	s0 =	simm.s32 @p2 $0x1  }
0x17: {  	s4 =	simm.s32 $0x1BF5;
	[smem:$0x3FB8] =	sst s0  }
0x18: {  	s0 =	sld [smem:$0x3F9B];
	_ =	swait.ge [sflag:s4], $0x0  }
0x19: {  	s7 =	sld [smem:$0x3F9C]  }
0x1a: {  	s8 =	sadd.s32 $0xFFFFE003, lr  }
0x1b: {  	s9 =	sadd.s32 $0xFFFFFEF7, lr;
	s5 =	simm.s32 $0xFFFFFFFF;
	p2 =	slt.u32 s8, $0xFFFFF086  }
0x1c: {  	p1 =	slt.u32 s9, $0xF7A;
	s5 =	simm.s32 @!p2 $0x0  }
0x1d: {  	s5 =	simm.s32 @p1 $0x1;
	p0 =	seq.s32 s7, s2  }
0x1e: {  	s7 =	smul.u32 @!p0 $0xF7A, s2;
	p2 =	seq.s32 @!p0 s5, $0x0  }
0x1f: {  	s9 =	smul.u32 $0xF7A, s1;
	s8 =	simm.s32 @!p0 $0x1BF5;
	p2 =	por !p2, p0  }
0x20: {  	[sflag:s8] =	ssyncset.s32 @!p0 $0xFFFFF086;
	s6 =	sadd.s32 @!p0 s3, s7;
	s7 =	simm.s32 @!p0 $0x108  }
0x21: {  	s3 =	sadd.s32 s3, s9;
	s6 =	sadd.s32 @!p0 $0x88, s6;
	s7 =	simm.s32 @p2 $0x1082  }
0x22: {  	[simem:s7], [sflag:s8] =	dma.local @!p0 [hbm:s6], $0xF7A  }
0x23: {  	s9 =	sor.u32 $0xD0000000, s2;
	s6 =	simm.s32 $0x108;
	_ =	swait.ge @!p0 [sflag:s8], $0x0  }
0x24: {  	s3 =	sadd.s32 $0x88, s3;
	s6 =	simm.s32 @!p1 $0x1082;
	[sflag:s4] =	ssyncset.s32 $0xFFFFF086  }
0x25: {  	[simem:s6], [sflag:s4] =	dma.local [hbm:s3], $0xF7A  }
0x26: {  	[smem:$0x3F9C] =	sst s1;
	(tag) =	ssettag s2;
	_ =	strace s9  }
0x27: {  	s1 =	sld [smem:$0x3FAC]  }
0x28: {  	s2 =	sld [smem:$0x3FAD]  }
0x29: {  	s4 =	sld [smem:$0x3FAF]  }
0x2a: {  	p0 =	seq.s32 s5, $0x0;
	s5 =	sld [smem:$0x3FB0]  }
0x2b: {  	s6 =	sld [smem:$0x3FB1]  }
0x2c: {  	s7 =	sld [smem:$0x3FB2]  }
0x2d: {  	s3 =	simm.s32 $0x108;
	s8 =	sld [smem:$0x3FB3]  }
0x2e: {  	s3 =	simm.s32 @!p0 $0x1082;
	s9 =	sld [smem:$0x3FB4]  }
0x2f: {  	lr =	sadd.s32 s0, s3;
	s0 =	sld [smem:$0x3FAB]  }
0x30: {  	s3 =	sld [smem:$0x3FAE]  }
0x31: {  	[smem:$0x3FB7] =	sst s10  }
0x32: {  	s10 =	sld [smem:$0x3FB5];
	_ =	sdelay $0x3  }
0x33: {  	p0 =	seq.s32 s10, $0x1;
	s10 =	sld [smem:$0x3FB7];
	_ =	sdelay $0x3  }
0x34: {  	[smem:$0x3FB7] =	sst s10  }
0x35: {  	s10 =	sld [smem:$0x3FB6];
	_ =	sdelay $0x3  }
0x36: {  	p1 =	seq.s32 s10, $0x1;
	s10 =	sld [smem:$0x3FB7];
	_ =	sdelay $0x3  }
0x37: {  	[smem:$0x3FB7] =	sst s10  }
0x38: {  	s10 =	sld [smem:$0x3FB8]  }
0x39: {  	_ = 	snop;
	(pc) =	sbr.ind lr, $3  }
0x3a: {  	_ = 	snop  }
0x3b: {  	_ = 	snop  }
0x3c: {  	p2 =	seq.s32 s10, $0x1;
	s10 =	sld [smem:$0x3FB7]  }
0x3d: {  	_ =	shalt  }
0x3e: {  	_ =	shalt  }
0x3f: {  	_ =	shalt  }
0x40: {  	_ =	shalt  }
0x41: {  	_ =	shalt  }
0x42: {  	_ =	shalt  }
0x43: {  	_ =	shalt  }
0x44: {  	_ =	shalt  }
0x45: {  	_ =	shalt  }
0x46: {  	_ =	shalt  }
0x47: {  	_ =	shalt  }
0x48: {  	_ =	shalt  }
0x49: {  	_ =	shalt  }
0x4a: {  	_ =	shalt  }
0x4b: {  	_ =	shalt  }
0x4c: {  	_ =	shalt  }
0x4d: {  	_ =	shalt  }
0x4e: {  	_ =	shalt  }
0x4f: {  	_ =	shalt  }
0x50: {  	_ =	shalt  }
0x51: {  	_ =	shalt  }
0x52: {  	_ =	shalt  }
0x53: {  	_ =	shalt  }
0x54: {  	_ =	shalt  }
0x55: {  	_ =	shalt  }
0x56: {  	_ =	shalt  }
0x57: {  	_ =	shalt  }
0x58: {  	_ =	shalt  }
0x59: {  	_ =	shalt  }
0x5a: {  	_ =	shalt  }
0x5b: {  	_ =	shalt  }
0x5c: {  	_ =	shalt  }
0x5d: {  	_ =	shalt  }
0x5e: {  	_ =	shalt  }
0x5f: {  	_ =	shalt  }
0x60: {  	_ =	shalt  }
0x61: {  	_ =	shalt  }
0x62: {  	_ =	shalt  }
0x63: {  	_ =	shalt  }
0x64: {  	_ =	shalt  }
0x65: {  	_ =	shalt  }
0x66: {  	_ =	shalt  }
0x67: {  	_ =	shalt  }
0x68: {  	_ =	shalt  }
0x69: {  	_ =	shalt  }
0x6a: {  	_ =	shalt  }
0x6b: {  	_ =	shalt  }
0x6c: {  	_ =	shalt  }
0x6d: {  	_ =	shalt  }
0x6e: {  	_ =	shalt  }
0x6f: {  	_ =	shalt  }
0x70: {  	_ =	shalt  }
0x71: {  	_ =	shalt  }
0x72: {  	_ =	shalt  }
0x73: {  	_ =	shalt  }
0x74: {  	_ =	shalt  }
0x75: {  	_ =	shalt  }
0x76: {  	_ =	shalt  }
0x77: {  	_ =	shalt  }
0x78: {  	_ =	shalt  }
0x79: {  	_ =	shalt  }
0x7a: {  	_ =	shalt  }
0x7b: {  	_ =	shalt  }
0x7c: {  	_ =	shalt  }
0x7d: {  	_ =	shalt  }
0x7e: {  	_ =	shalt  }
0x7f: {  	_ =	shalt  }
0x80: {  	_ =	shalt  }
0x81: {  	_ =	shalt  }
0x82: {  	_ =	shalt  }
0x83: {  	_ =	shalt  }
0x84: {  	_ =	shalt  }
0x85: {  	_ =	shalt  }
0x86: {  	_ =	shalt  }
0x87: {  	_ =	shalt  }
.Lfunc_end0:
.L_simem_size_0:
called_computation_lowered:
.L_overlay_start_0:
0x88: {  	s2 =	sld [smem:$0x3FD9]  }
0x89: {  	s3 =	sld [smem:$0x3FFE];
	_ =	sdelay $0x1  }
0x8a: {  	s1 =	srdreg.scid  }
0x8b: {  	s0 =	sand.u32 $0x1, s1  }
0x8c: {  	s17 =	sshll.u32 s0, $0xA;
	s2 =	sadd.s32 s3, s2  }
0x8d: {  	s2 =	sadd.s32 s2, s17  }
0x8e: {  	[smem:$0x3FC3] =	sst s2  }
0x8f: {  	_ = 	snop  }
0x90: {  	s2 =	sld [smem:$0x3FD0];
	(tm) =	ssettm $0x1  }
0x91: {  	s18 =	sld [smem:$0x3FFB];
	_ =	sdelay $0x3  }
0x92: {  	_ =	strace s18  }
0x93: {  	s3 =	sld [smem:$0x3FFC];
	_ =	sdelay $0x3  }
0x94: {  	_ =	strace s3  }
0x95: {  	s3 =	sld [smem:$0x3FFD];
	_ =	sdelay $0x3  }
0x96: {  	_ =	strace s3  }
0x97: {  	_ =	strace $0x8FFFFFFF  }
0x98: {  	s19 =	sld [smem:$0x3FDB];
	_ =	sdelay $0x1  }
0x99: {  	s4 =	simm.s32 $_scs_section_size  }
0x9a: {  	s5 =	simm.s32 $_size__tile_overlayer_lowered;
	s6 =	simm.s32 $_tile_overlayer_lowered  }
0x9b: {  	s22 =	simm.s32 $0x1BFF;
	s21 =	sshll.u32 s6, $0x1;
	s3 =	sadd.s32 s4, s19  }
0x9c: {  	s7 =	simm.s32 $0x0;
	s20 =	sshll.u32 s5, $0x1;
	s5 =	sadd.s32 s21, s3  }
0x9d: {  	[timem:s7], [sflag:s22] =	dma.local [hbm:s5], s20  }
0x9e: {  	_ =	swait.ge [sflag:s22], s20  }
0x9f: {  	s4 =	ssub.s32 $0x0, s20;
	[sflag:s22] =	ssyncset.done $0x0  }
0xa0: {  	[sflag:s22] =	ssyncadd.s32 s4;
	_ =	sdelay $0x1  }
0xa1: {  	s23 =	simm.s32 $0x1B8B  }
0xa2: {  	_ =	swait.ge [sflag:s23], $0x1  }
0xa3: {  	[sflag:s23] =	ssyncset.done $0x0  }
0xa4: {  	s25 =	simm.s32 $0x1B8E;
	s24 =	sld [smem:$0x3FFE];
	[sflag:s23] =	ssyncadd.s32 $0xFFFFFFFF  }
0xa5: {  	s26 =	simm.s32 $execute0_lowered;
	[smem:$0x3FD2] =	sst s25  }
0xa6: {  	s5 =	sshll.u32 s26, $0x1;
	_ =	strace $0x80000046;
	[dreg:$0x1] =	wrdreg $0xFFFFFFFF  }
0xa7: {  	s28 =	simm.s32 $_size_execute0_lowered;
	s3 =	sadd.s32 s3, s5;
	[dreg:$0x0] =	wrdreg $0x0  }
0xa8: {  	s5 =	sshll.u32 s28, $0x1;
	[dreg:$0x2] =	wrdreg s3  }
0xa9: {  	[dreg:$0x3] =	wrdreg s5  }
0xaa: {  	[dreg:$0x4] =	wrdreg $0xC0  }
0xab: {  	_ =	task [dreg:s7], $0x5FFFF  }
0xac: {  	[dreg:$0x1] =	wrdreg $0xFFFFFFFF  }
0xad: {  	[dreg:$0x0] =	wrdreg $0x60  }
0xae: {  	[dreg:$0x2] =	wrdreg s24  }
0xaf: {  	[dreg:$0x3] =	wrdreg s2  }
0xb0: {  	[dreg:$0x4] =	wrdreg $0x9  }
0xb1: {  	_ =	task.clear_ibuf [dreg:s7], $0x5FFFF;
	_ =	strace $0x90000046  }
0xb2: {  	s29 =	simm.s32 $0x9;
	_ =	strace $0x80000048  }
0xb3: {  	_ =	swait.ge [sflag:s29], $0x1  }
0xb4: {  	[sflag:s29] =	ssyncadd.s32 $0xFFFFFFFF  }
0xb5: {  	_ =	strace $0x90000048  }
0xb6: {  	_ =	sfence  }
0xb7: {  	s30 =	sld [smem:$0x0];
	_ =	sdelay $0x2  }
0xb8: {  	s31 =	sshll.u32 s1, $0xD;
	s1 =	sshrl.u32 s1, $0x2  }
0xb9: {  	s3 =	sand.u32 $0x4000, s31;
	s1 =	sadd.s32 s1, s30  }
0xba: {  	s0 =	sor.u32 s3, s0;
	s1 =	sshll.u32 s1, $0x11  }
0xbb: {  	s0 =	sor.u32 s1, s0  }
0xbc: {  	s0 =	sadd.s32 $0x8F2B, s0  }
0xbd: {  	[sflag:s0] =	ssyncadd.remote.s32 $0x1  }
0xbe: {  	_ =	sfence.sel $0xFFFF  }
0xbf: {  	[dreg:$0x0] =	wrdreg $0xFFFFFFFF;
	(pc) =	sbr.abs _section_cstart, $3  }
0xc0: {  	[dreg:$0x1] =	wrdreg $0xFFFFFFFF  }
0xc1: {  	_ =	task.clear_ibuf [dreg:s7], $0x2FFFF;
	_ =	strace $0x9FFFFFFF  }
0xc2: {  	(tm) =	ssettm $0x7FFFFFFF  }
0xc3: {  	_ =	shalt  }
tec
execute0_lowered:
.L_overlay_start_1:
0x0: {  	(tag) =	ssettag $0x1  }
0x1: {  	v0 =	vlaneseq.u32  }
0x2: {  	vm11 =	vmmov $0x1;
	vm1 =	vmmov $0x3;
	v3 =	vimm.s32 $0x0  }
0x3: {  	s0 =	rddreg [dreg:$0x0];
	vm0 =	vmmov $0x7;
	v4 =	vimm.s32 $0x0;
	vm12 =	vmmov $0xf  }
0x4: {  	s1 =	rddreg [dreg:$0x1];
	s4 =	simm.s32 $0x0;
	v5 =	vimm.s32 $0x0;
	vm6 =	vmmov $0x1f;
	vm9 =	vmmov $0x3f  }
0x5: {  	s8 =	simm.s32 $0x14090;
	vm8 =	vmmov $0x7f;
	vm14 =	vmmov $0xff;
	vm10 =	vmmov $0x1ff;
	[smem:$0x7FF] =	sst s4  }
0x6: {  	s12 =	simm.s32 $0x140A0;
	vm13 =	vmmov $0x3ff;
	v11 =	vimm.s32 $0x0;
	vm15 =	vmmov $0x7ff;
	_ =	strace $0x80000047;
	[dreg:$0x3] =	wrdreg s8  }
0x7: {  	s13 =	simm.s32 $0x140B0;
	v12 =	vimm.s32 $0x0;
	v13 =	vimm.s32 $0x0;
	vm2 =	vmmov $0x1fff;
	[dreg:$0x4] =	wrdreg s12  }
0x8: {  	s2 =	srdreg.scid;
	s14 =	simm.s32 $0x140C0;
	v15 =	vimm.s32 $0x0;
	v16 =	vimm.s32 $0x0;
	v32 =	vimm.s32 $0xF;
	[dreg:$0x5] =	wrdreg s13  }
0x9: {  	s6 =	stileid.u32;
	s15 =	simm.s32 $0x140D0;
	v33 =	vimm.s32 $0x0;
	v35 =	vimm.s32 $0x1;
	v36 =	vimm.s32 $0x2;
	[dreg:$0x6] =	wrdreg s14  }
0xa: {  	s16 =	simm.s32 $0x140E0;
	s17 =	simm.s32 $0x140F0;
	v37 =	vimm.s32 $0x3;
	v46 =	vimm.s32 $0x4;
	v52 =	vimm.s32 $0x5;
	[dreg:$0x7] =	wrdreg s15  }
0xb: {  	s18 =	simm.s32 $0x14100;
	s19 =	simm.s32 $0x14110;
	v40 =	vimm.s32 $0x6;
	v41 =	vimm.s32 $0x7;
	v42 =	vimm.s32 $0x8;
	[dreg:$0x8] =	wrdreg s16  }
0xc: {  	s20 =	simm.s32 $0x14120;
	s21 =	simm.s32 $0x14130;
	v43 =	vimm.s32 $0x9;
	v44 =	vimm.s32 $0xA;
	v47 =	vimm.s32 $0xB;
	[dreg:$0x9] =	wrdreg s17  }
0xd: {  	s22 =	simm.s32 $0x14140;
	s23 =	simm.s32 $0x14150;
	v48 =	vimm.s32 $0xC;
	v49 =	vimm.s32 $0xD;
	v50 =	vimm.s32 $0xE;
	[dreg:$0xa] =	wrdreg s18  }
0xe: {  	s24 =	simm.s32 $0x14160;
	s25 =	simm.s32 $0x14170;
	v53 =	vimm.s32 $0x0;
	v60 =	vimm.s32 $0x0;
	v61 =	vimm.s32 $0x0;
	[dreg:$0xb] =	wrdreg s19  }
0xf: {  	s26 =	simm.s32 $0x14180;
	s28 =	simm.s32 $0x14260;
	v62 =	vimm.s32 $0x0;
	v63 =	vimm.s32 $0x0;
	v1 =	vor.u32 $0x10, v0;
	[dreg:$0xc] =	wrdreg s20  }
0x10: {  	s29 =	simm.s32 $0x14270;
	s30 =	simm.s32 $0x14280;
	v2 =	vor.u32 $0x20, v0;
	v3 =	vsel vm1, $0xFFFFFFFF, v3;
	v4 =	vsel vm0, $0xFFFFFFFF, v4;
	[dreg:$0xd] =	wrdreg s21  }
0x11: {  	s31 =	simm.s32 $0x14300;
	s2 =	sand.u32 $0x1, s2;
	v5 =	vsel vm12, $0xFFFFFFFF, v5;
	v6 =	vor.u32 $0x60, v0;
	v7 =	vor.u32 $0x70, v0;
	[dreg:$0xe] =	wrdreg s22  }
0x12: {  	s3 =	sshll.u32 s6, $0x1;
	s6 =	sshrl.u32 s6, $0x1;
	v8 =	vor.u32 $0x80, v0;
	v9 =	vor.u32 $0x90, v0;
	v10 =	vor.u32 $0xA0, v0;
	[dreg:$0xf] =	wrdreg s23  }
0x13: {  	v11 =	vsel vm13, $0xFFFFFFFF, v11;
	v12 =	vsel vm15, $0xFFFFFFFF, v12;
	vm12 =	vmmov $0xfff;
	s3 =	sor.u32 s2, s3;
	s7 =	sshll.u32 s6, $0xB;
	[dreg:$0x10] =	wrdreg s24  }
0x14: {  	v14 =	vor.u32 $0xE0, v0;
	v17 =	vor.u32 $0x110, v0;
	v18 =	vor.u32 $0x120, v0;
	s2 =	ssub.s32 $0x2, s2;
	[tilespmem:$0x1FF30] =	vst v3;
	s6 =	sshll.u32 s6, $0x4;
	[dreg:$0x11] =	wrdreg s25  }
0x15: {  	v19 =	vor.u32 $0x130, v0;
	v20 =	vor.u32 $0x140, v0;
	v21 =	vor.u32 $0x150, v0;
	[tilespmem:$0x1FF40] =	vst v4;
	s8 =	simm.s32 $0x1;
	s13 =	simm.s32 $0x14080;
	[dreg:$0x12] =	wrdreg s26  }
0x16: {  	vm13 =	vmmov $0x3fff;
	v22 =	vor.u32 $0x160, v0;
	v23 =	vor.u32 $0x170, v0;
	[tilespmem:$0x1FF50] =	vst v5;
	s14 =	simm.s32 $0x14190;
	s15 =	simm.s32 $0x141A0;
	s16 =	simm.s32 $0x141B0  }
0x17: {  	vm15 =	vmmov $0x7fff;
	v24 =	vor.u32 $0x180, v0;
	v25 =	vor.u32 $0x190, v0;
	[tilespmem:$0x1FF60] =	vst v11;
	s17 =	simm.s32 $0x141C0;
	s18 =	simm.s32 $0x141D0;
	s19 =	simm.s32 $0x141E0  }
0x18: {  	v26 =	vor.u32 $0x1A0, v0;
	v27 =	vor.u32 $0x1B0, v0;
	v53 =	vsel vm11, $0xFFFFFFFF, v53;
	[tilespmem:$0x1FF70] =	vst v12;
	s20 =	simm.s32 $0x141F0;
	s21 =	simm.s32 $0x14200;
	s22 =	simm.s32 $0x14210  }
0x19: {  	v28 =	vor.u32 $0x1C0, v0;
	v31 =	vor.u32 $0x1D0, v0;
	v13 =	vsel vm12, $0xFFFFFFFF, v13;
	s23 =	simm.s32 $0x14220;
	s24 =	simm.s32 $0x14230;
	s25 =	simm.s32 $0x14240;
	[tilespmem:$0x1FFB0] =	vst v53  }
0x1a: {  	v29 =	vor.u32 $0x1E0, v0;
	v30 =	vor.u32 $0x1F0, v0;
	v15 =	vsel vm13, $0xFFFFFFFF, v15;
	s26 =	simm.s32 $0x14250;
	s10 =	sshll.u32 s3, $0xD;
	s5 =	sshll.u32 s3, $0x4;
	[tilespmem:$0x1FF80] =	vst v13  }
0x1b: {  	v34 =	vadd.s32 $0x1, v0;
	v45 =	vmul.u32 $0x200, v0;
	v16 =	vsel vm15, $0xFFFFFFFF, v16;
	s11 =	sshrl.u32 s2, $0x1;
	s1 =	sadd.s32 s1, s6;
	s3 =	sshll.u32 s3, $0x7;
	[tilespmem:$0x1FF90] =	vst v15  }
0x1c: {  	v38 =	vmul.u32 $0x80, v0;
	v3 =	vor.u32 $0x30, v0;
	v53 =	vsel vm14, $0xFFFFFFFF, v60;
	[tilespmem:$0x1FFA0] =	vst v16;
	s4 =	sadd.s32 s10, s0;
	s5 =	sadd.s32 s5, s0;
	s0 =	sadd.s32 s7, s0  }
0x1d: {  	v4 =	vor.u32 $0x40, v0;
	v5 =	vor.u32 $0x50, v0;
	[tilespmem:$0x1FFC0] =	vst v53;
	v53 =	vsel vm10, $0xFFFFFFFF, v61;
	s2 =	ssub.s32 s2, s11;
	[dreg:$0x14] =	wrdreg s1;
	s3 =	sand.u32 $0x180, s3  }
0x1e: {  	v11 =	vor.u32 $0xB0, v0;
	v12 =	vor.u32 $0xC0, v0;
	s10 =	simm.s32 $0x400;
	s11 =	simm.s32 $0x10000;
	s1 =	simm.s32 $0x0;
	[tilespmem:$0x1FFD0] =	vst v53;
	v53 =	vsel vm2, $0xFFFFFFFF, v62  }
0x1f: {  	v13 =	vor.u32 $0xD0, v0;
	v15 =	vor.u32 $0xF0, v0;
	s4 =	sadd.s32 $0xE00, s4;
	s5 =	sadd.s32 $0x40E00, s5;
	s0 =	sadd.s32 s3, s0;
	[tilespmem:$0x1FFE0] =	vst v53;
	v53 =	vsel vm9, $0xFFFFFFFF, v63  }
0x20: {  	v16 =	vor.u32 $0x100, v0;
	v51 =	vor.u32 $0x2000, v45;
	v39 =	vor.u32 $0x800, v38;
	s7 =	smax.u32 s2, $0x1;
	[dreg:$0x13] =	wrdreg s4;
	s6 =	sadd.s32 $0x41000, s0;
	[tilespmem:$0x1FFF0] =	vst v53  }
.LBB2_1:
0x21: {  	s0 =	simm.s32 $0x0;
	s2 =	rddreg [dreg:$0x13]  }
0x22: {  	[tilespmem:s0], [sflag:$0x1] =	stream.linear.gather [hbm4b:s2+s0], $0x10000, $0x38;
	[tilespmem:$0x15300] =	vst v63  }
0x23: {  	_ =	swait.ge [sflag:s8], $0x10000  }
0x24: {  	[sflag:s8] =	ssyncset.done $0x0  }
0x25: {  	s3 =	simm.s32 $0x80;
	s9 =	rddreg [dreg:$0x14];
	[sflag:s8] =	ssyncadd.s32 $0xFFFF0000  }
0x26: {  	[tilespmem:s11], [sflag:$0x1] =	stream.strided.gather [hbm4b:s9+s3], $0x4000, s10, s3, $0x38;
	[tilespmem:$0x15300] =	vst v63  }
0x27: {  	_ =	swait.ge [sflag:s8], $0x4000  }
0x28: {  	[sflag:s8] =	ssyncset.done $0x0  }
0x29: {  	s12 =	simm.s32 $0x14000;
	[sflag:s8] =	ssyncadd.s32 $0xFFFFC000  }
0x2a: {  	[tilespmem:s12], [sflag:$0x1] =	stream.linear.gather [hbm4b:s5+s0], $0x80, $0x38;
	[tilespmem:$0x15300] =	vst v63  }
0x2b: {  	_ =	swait.ge [sflag:s8], $0x80  }
0x2c: {  	s2 =	simm.s32 $0x0;
	s9 =	simm.s32 $0x0;
	[sflag:s8] =	ssyncset.done $0x0  }
0x2d: {  	s12 =	simm.s32 $0x0;
	s0 =	simm.s32 $0x0;
	[sflag:s8] =	ssyncadd.s32 $0xFFFFFF80  }
.LBB2_2:
0x2e: {  	s3 =	sand.u32 $0x1C0, s9  }
0x2f: {  	s3 =	sshrl.u32 s3, $0x2  }
0x30: {  	s4 =	sand.u32 $0x380, s0;
	v54 =	vld [tilespmem:s3+$0x14000];
	s3 =	sand.u32 $0xF000, s12  }
0x31: {  	s3 =	sor.u32 s4, s3  }
0x32: {  	v55 =	vld [tilespmem:s3+$0x0];
	_ =	sdelay $0x1  }
0x33: {  	v53 =	vmov s2  }
0x34: {  	v54 =	vperm.xlane v54, v53;
	_ =	sdelay $0x1  }
0x35: {  	vm12 =	vle.f32 v55, v54  }
0x36: {  	[tilespmem:s13+$0x0] =	vst.msk vm12, v0  }
0x37: {  	v63 =	vld [tilespmem:s3+$0x10];
	_ =	sdelay $0x4  }
0x38: {  	s4 =	rddreg [dreg:$0x3];
	vm13 =	vle.f32 v63, v54  }
0x39: {  	[tilespmem:s4+$0x0] =	vst.msk vm13, v1  }
0x3a: {  	v57 =	vld [tilespmem:s3+$0x20];
	_ =	sdelay $0x4  }
0x3b: {  	s4 =	rddreg [dreg:$0x4];
	vm0 =	vle.f32 v57, v54  }
0x3c: {  	[tilespmem:s4+$0x0] =	vst.msk vm0, v2  }
0x3d: {  	v59 =	vld [tilespmem:s3+$0x30];
	_ =	sdelay $0x4  }
0x3e: {  	s4 =	rddreg [dreg:$0x5];
	vm15 =	vle.f32 v59, v54  }
0x3f: {  	[tilespmem:s4+$0x0] =	vst.msk vm15, v3  }
0x40: {  	v61 =	vld [tilespmem:s3+$0x40];
	_ =	sdelay $0x4  }
0x41: {  	s4 =	rddreg [dreg:$0x6];
	vm14 =	vle.f32 v61, v54  }
0x42: {  	[tilespmem:s4+$0x0] =	vst.msk vm14, v4  }
0x43: {  	v63 =	vld [tilespmem:s3+$0x50];
	_ =	sdelay $0x4  }
0x44: {  	s4 =	rddreg [dreg:$0x7];
	vm7 =	vle.f32 v63, v54  }
0x45: {  	[tilespmem:s4+$0x0] =	vst.msk vm7, v5  }
0x46: {  	v57 =	vld [tilespmem:s3+$0x60];
	_ =	sdelay $0x2  }
0x47: {  	v58 =	vimm.s32 $0x0  }
0x48: {  	v60 =	vimm.s32 $0x0;
	v55 =	vsel vm0, $0xFFFFFFFF, v58  }
0x49: {  	[tilespmem:$0x1FE10] =	vst v55;
	v55 =	vsel vm15, $0xFFFFFFFF, v60;
	s4 =	rddreg [dreg:$0x8];
	vm15 =	vle.f32 v57, v54  }
0x4a: {  	[tilespmem:s4+$0x0] =	vst.msk vm15, v6  }
0x4b: {  	v59 =	vld [tilespmem:s3+$0x70];
	_ =	sdelay $0x3  }
0x4c: {  	v62 =	vimm.s32 $0x0  }
0x4d: {  	[tilespmem:$0x1FE20] =	vst v55;
	v55 =	vsel vm14, $0xFFFFFFFF, v62;
	s4 =	rddreg [dreg:$0x9];
	vm14 =	vle.f32 v59, v54  }
0x4e: {  	[tilespmem:s4+$0x0] =	vst.msk vm14, v7  }
0x4f: {  	v61 =	vld [tilespmem:s3+$0x400];
	_ =	sdelay $0x3  }
0x50: {  	v58 =	vimm.s32 $0x0  }
0x51: {  	[tilespmem:$0x1FE30] =	vst v55;
	v55 =	vsel vm15, $0xFFFFFFFF, v58;
	s4 =	rddreg [dreg:$0xa];
	vm15 =	vle.f32 v61, v54  }
0x52: {  	[tilespmem:s4+$0x0] =	vst.msk vm15, v8  }
0x53: {  	v63 =	vld [tilespmem:s3+$0x410];
	_ =	sdelay $0x4  }
0x54: {  	s4 =	rddreg [dreg:$0xb];
	vm3 =	vle.f32 v63, v54  }
0x55: {  	[tilespmem:s4+$0x0] =	vst.msk vm3, v9  }
0x56: {  	v57 =	vld [tilespmem:s3+$0x420];
	_ =	sdelay $0x3  }
0x57: {  	v60 =	vimm.s32 $0x0  }
0x58: {  	[tilespmem:$0x1FE40] =	vst v55;
	v55 =	vsel vm14, $0xFFFFFFFF, v60;
	s4 =	rddreg [dreg:$0xc];
	vm14 =	vle.f32 v57, v54  }
0x59: {  	[tilespmem:s4+$0x0] =	vst.msk vm14, v10  }
0x5a: {  	v59 =	vld [tilespmem:s3+$0x430];
	_ =	sdelay $0x3  }
0x5b: {  	v62 =	vimm.s32 $0x0  }
0x5c: {  	[tilespmem:$0x1FE50] =	vst v55;
	v55 =	vsel vm15, $0xFFFFFFFF, v62;
	s4 =	rddreg [dreg:$0xd];
	vm15 =	vle.f32 v59, v54  }
0x5d: {  	[tilespmem:s4+$0x0] =	vst.msk vm15, v11  }
0x5e: {  	v61 =	vld [tilespmem:s3+$0x440];
	_ =	sdelay $0x3  }
0x5f: {  	v58 =	vimm.s32 $0x0  }
0x60: {  	[tilespmem:$0x1FE60] =	vst v55;
	v55 =	vsel vm14, $0xFFFFFFFF, v58;
	s4 =	rddreg [dreg:$0xe];
	vm14 =	vle.f32 v61, v54  }
0x61: {  	[tilespmem:s4+$0x0] =	vst.msk vm14, v12  }
0x62: {  	v63 =	vld [tilespmem:s3+$0x450];
	_ =	sdelay $0x4  }
0x63: {  	s4 =	rddreg [dreg:$0xf];
	vm4 =	vle.f32 v63, v54  }
0x64: {  	[tilespmem:s4+$0x0] =	vst.msk vm4, v13  }
0x65: {  	v57 =	vld [tilespmem:s3+$0x460];
	_ =	sdelay $0x4  }
0x66: {  	s4 =	rddreg [dreg:$0x10];
	vm1 =	vle.f32 v57, v54  }
0x67: {  	[tilespmem:s4+$0x0] =	vst.msk vm1, v14  }
0x68: {  	v58 =	vld [tilespmem:s3+$0x470];
	_ =	sdelay $0x3  }
0x69: {  	v60 =	vimm.s32 $0x0  }
0x6a: {  	[tilespmem:$0x1FE70] =	vst v55;
	v55 =	vsel vm15, $0xFFFFFFFF, v60;
	s4 =	rddreg [dreg:$0x11];
	vm15 =	vle.f32 v58, v54  }
0x6b: {  	[tilespmem:s4+$0x0] =	vst.msk vm15, v15  }
0x6c: {  	v60 =	vld [tilespmem:s3+$0x800];
	_ =	sdelay $0x4  }
0x6d: {  	s4 =	rddreg [dreg:$0x12];
	vm0 =	vle.f32 v60, v54  }
0x6e: {  	[tilespmem:s4+$0x0] =	vst.msk vm0, v16  }
0x6f: {  	v61 =	vld [tilespmem:s3+$0x810];
	_ =	sdelay $0x4  }
0x70: {  	vm9 =	vle.f32 v61, v54  }
0x71: {  	v62 =	vimm.s32 $0x0;
	[tilespmem:s14+$0x0] =	vst.msk vm9, v17  }
0x72: {  	[tilespmem:$0x1FE80] =	vst v55;
	v55 =	vsel vm14, $0xFFFFFFFF, v62;
	v62 =	vld [tilespmem:s3+$0x820];
	_ =	sdelay $0x4  }
0x73: {  	vm2 =	vle.f32 v62, v54  }
0x74: {  	[tilespmem:s15+$0x0] =	vst.msk vm2, v18  }
0x75: {  	v63 =	vld [tilespmem:s3+$0x830];
	_ =	sdelay $0x3  }
0x76: {  	v59 =	vimm.s32 $0x0  }
0x77: {  	[tilespmem:$0x1FE90] =	vst v55;
	v55 =	vsel vm15, $0xFFFFFFFF, v59;
	vm15 =	vle.f32 v63, v54  }
0x78: {  	[tilespmem:s16+$0x0] =	vst.msk vm15, v19  }
0x79: {  	v61 =	vld [tilespmem:s3+$0x840];
	_ =	sdelay $0x4  }
0x7a: {  	vm5 =	vle.f32 v61, v54  }
0x7b: {  	[tilespmem:s17+$0x0] =	vst.msk vm5, v20  }
0x7c: {  	v63 =	vld [tilespmem:s3+$0x850];
	_ =	sdelay $0x3  }
0x7d: {  	v62 =	vimm.s32 $0x0  }
0x7e: {  	[tilespmem:$0x1FEA0] =	vst v55;
	v55 =	vsel vm5, $0xFFFFFFFF, v62;
	vm5 =	vle.f32 v63, v54  }
0x7f: {  	[tilespmem:s18+$0x0] =	vst.msk vm5, v21  }
0x80: {  	v58 =	vld [tilespmem:s3+$0x860];
	_ =	sdelay $0x1  }
0x81: {  	v60 =	vld [tilespmem:$0x1FF30];
	_ =	sdelay $0x1  }
0x82: {  	v57 =	vimm.s32 $0x0  }
0x83: {  	[tilespmem:$0x1FEB0] =	vst v55;
	v55 =	vsel vm5, $0xFFFFFFFF, v57;
	vm5 =	vle.f32 v58, v54  }
0x84: {  	[tilespmem:s19+$0x0] =	vst.msk vm5, v22  }
0x85: {  	vm14 =	vnez.u8 v60;
	v60 =	vld [tilespmem:s3+$0x870];
	_ =	sdelay $0x3  }
0x86: {  	v59 =	vimm.s32 $0x0  }
0x87: {  	[tilespmem:$0x1FED0] =	vst v55;
	v55 =	vsel vm5, $0xFFFFFFFF, v59;
	vm5 =	vle.f32 v60, v54  }
0x88: {  	[tilespmem:s20+$0x0] =	vst.msk vm5, v23  }
0x89: {  	v62 =	vld [tilespmem:s3+$0xC00];
	_ =	sdelay $0x3  }
0x8a: {  	v61 =	vimm.s32 $0x0  }
0x8b: {  	[tilespmem:$0x1FEE0] =	vst v55;
	v55 =	vsel vm5, $0xFFFFFFFF, v61;
	vm5 =	vle.f32 v62, v54  }
0x8c: {  	[tilespmem:s21+$0x0] =	vst.msk vm5, v24  }
0x8d: {  	v57 =	vld [tilespmem:s3+$0xC10];
	_ =	sdelay $0x3  }
0x8e: {  	v63 =	vimm.s32 $0x0  }
0x8f: {  	[tilespmem:$0x1FEF0] =	vst v55;
	v55 =	vsel vm5, $0xFFFFFFFF, v63;
	vm5 =	vle.f32 v57, v54  }
0x90: {  	[tilespmem:s22+$0x0] =	vst.msk vm5, v25  }
0x91: {  	v59 =	vld [tilespmem:s3+$0xC20];
	_ =	sdelay $0x2  }
0x92: {  	v58 =	vimm.s32 $0x0  }
0x93: {  	[tilespmem:$0x1FF00] =	vst v55;
	v55 =	vsel vm5, $0xFFFFFFFF, v58;
	v58 =	vld [tilespmem:$0x1FE10]  }
0x94: {  	vm5 =	vle.f32 v59, v54  }
0x95: {  	v56 =	vld [tilespmem:$0x1FF40];
	[tilespmem:s23+$0x0] =	vst.msk vm5, v26  }
0x96: {  	v61 =	vld [tilespmem:s3+$0xC30]  }
0x97: {  	v60 =	vimm.s32 $0x0;
	v62 =	vmpcnt.ones.xlane vm12  }
0x98: {  	v57 =	vmpcnt.ones.xlane vm13;
	[tilespmem:$0x1FF10] =	vst v55;
	v59 =	vld [tilespmem:$0x1FE20];
	v55 =	vsel vm5, $0xFFFFFFFF, v60;
	vm5 =	vnez.u8 v58  }
0x99: {  	vm10 =	vmmov vm8;
	v63 =	vld [tilespmem:$0x1FE30];
	v58 =	vmpcnt.ones.xlane vm5  }
0x9a: {  	vm8 =	vmmov vm6;
	vm6 =	vnez.u8 v56;
	v56 =	vsel vm11, v62, v57;
	v60 =	vld [tilespmem:$0x1FF70]  }
0x9b: {  	v56 =	vsel vm14, v56, v58;
	v58 =	vmpcnt.ones.xlane vm7;
	vm7 =	vle.f32 v61, v54;
	v61 =	vld [tilespmem:$0x1FE40];
	_ =	sdelay $0x1  }
0x9c: {  	v62 =	vld [tilespmem:$0x1FF50];
	vm5 =	vnez.u8 v59  }
0x9d: {  	v59 =	vmpcnt.ones.xlane vm5;
	vm5 =	vnez.u8 v63;
	v63 =	vld [tilespmem:$0x1FE50]  }
0x9e: {  	vm12 =	vnez.u8 v60;
	v60 =	vld [tilespmem:$0x1FE60]  }
0x9f: {  	v57 =	vmpcnt.ones.xlane vm5;
	vm5 =	vnez.u8 v61;
	v61 =	vld [tilespmem:$0x1FFA0];
	_ =	sdelay $0x1  }
0xa0: {  	[tilespmem:$0x1FF20] =	vst v55;
	v56 =	vsel vm6, v56, v59;
	v55 =	vmpcnt.ones.xlane vm5;
	vm5 =	vnez.u8 v62  }
0xa1: {  	v56 =	vsel vm5, v56, v57;
	vm5 =	vnez.u8 v63  }
0xa2: {  	v57 =	vmpcnt.ones.xlane vm5;
	vm5 =	vnez.u8 v60  }
0xa3: {  	v59 =	vmpcnt.ones.xlane vm5;
	vm5 =	vnez.u8 v61;
	v61 =	vld [tilespmem:$0x1FFF0];
	_ =	sdelay $0x4  }
0xa4: {  	vm13 =	vnez.u8 v61;
	v61 =	vld [tilespmem:$0x1FE70]  }
0xa5: {  	v63 =	vld [tilespmem:$0x1FFC0];
	_ =	sdelay $0x1  }
0xa6: {  	[tilespmem:s24+$0x0] =	vst.msk vm7, v27;
	v62 =	vld [tilespmem:$0x1FE90]  }
0xa7: {  	v56 =	vsel vm8, v56, v58;
	v58 =	vld [tilespmem:s3+$0xC40]  }
0xa8: {  	v55 =	vsel vm13, v56, v55;
	vm13 =	vnez.u8 v61;
	v61 =	vld [tilespmem:$0x1FE80]  }
0xa9: {  	vm11 =	vnez.u8 v63;
	v63 =	vld [tilespmem:$0x1FF60];
	[tilespmem:$0x1FEC0] =	vst v0  }
0xaa: {  	v0 =	vld [tilespmem:$0x1FF90];
	_ =	sdelay $0x2  }
0xab: {  	v56 =	vmpcnt.ones.xlane vm13;
	vm13 =	vnez.u8 v61  }
0xac: {  	v61 =	vmpcnt.ones.xlane vm13;
	vm13 =	vnez.u8 v62  }
0xad: {  	v55 =	vsel vm10, v55, v57;
	v57 =	vmpcnt.ones.xlane vm13;
	vm13 =	vnez.u8 v0;
	v0 =	vld [tilespmem:$0x1FEC0];
	_ =	sdelay $0x4  }
0xae: {  	[tilespmem:$0x1FEC0] =	vst v0  }
0xaf: {  	v0 =	vld [tilespmem:$0x1FF80];
	_ =	sdelay $0x4  }
0xb0: {  	v55 =	vsel vm11, v55, v59;
	v59 =	vmpcnt.ones.xlane vm1;
	vm1 =	vnez.u8 v0;
	v0 =	vld [tilespmem:$0x1FEC0];
	_ =	sdelay $0x4  }
0xb1: {  	[tilespmem:$0x1FEC0] =	vst v0  }
0xb2: {  	v0 =	vld [tilespmem:$0x1FFD0];
	_ =	sdelay $0x4  }
0xb3: {  	v62 =	vmpcnt.ones.xlane vm4;
	vm4 =	vnez.u8 v0;
	v0 =	vld [tilespmem:$0x1FEC0];
	_ =	sdelay $0x2  }
0xb4: {  	v60 =	vmpcnt.ones.xlane vm3;
	vm3 =	vle.f32 v58, v54  }
0xb5: {  	[tilespmem:s25+$0x0] =	vst.msk vm3, v28  }
0xb6: {  	v55 =	vsel vm4, v55, v60;
	v60 =	vld [tilespmem:$0x1FEA0];
	[tilespmem:$0x1FEC0] =	vst v0  }
0xb7: {  	v0 =	vld [tilespmem:$0x1FF50];
	_ =	sdelay $0x3  }
0xb8: {  	vm11 =	vnez.u8 v63  }
0xb9: {  	v55 =	vsel vm11, v55, v56;
	v56 =	vmpcnt.ones.xlane vm9;
	vm9 =	vnez.u8 v0;
	v0 =	vld [tilespmem:$0x1FEC0];
	_ =	sdelay $0x4  }
0xba: {  	[tilespmem:$0x1FEC0] =	vst v0  }
0xbb: {  	v0 =	vld [tilespmem:$0x1FFF0];
	_ =	sdelay $0x4  }
0xbc: {  	v55 =	vsel vm12, v55, v61;
	v61 =	vmpcnt.ones.xlane vm15;
	vm15 =	vnez.u8 v0;
	v0 =	vld [tilespmem:$0x1FEC0];
	_ =	sdelay $0x4  }
0xbd: {  	[tilespmem:$0x1FEC0] =	vst v0  }
0xbe: {  	v0 =	vld [tilespmem:$0x1FFC0];
	_ =	sdelay $0x3  }
0xbf: {  	v63 =	vmpcnt.ones.xlane vm0;
	vm0 =	vnez.u8 v60  }
0xc0: {  	v58 =	vmpcnt.ones.xlane vm0;
	vm0 =	vmmov vm14;
	vm14 =	vnez.u8 v0;
	v0 =	vld [tilespmem:$0x1FEC0]  }
0xc1: {  	v55 =	vsel vm1, v55, v57;
	v57 =	vld [tilespmem:$0x1FFB0];
	_ =	sdelay $0x4  }
0xc2: {  	v60 =	vmpcnt.ones.xlane vm2;
	vm2 =	vnez.u8 v57;
	v57 =	vld [tilespmem:s3+$0xC50]  }
0xc3: {  	v56 =	vsel vm2, v63, v56;
	v63 =	vld [tilespmem:$0x1FEB0];
	[tilespmem:$0x1FEC0] =	vst v0  }
0xc4: {  	v0 =	vld [tilespmem:$0x1FFE0];
	_ =	sdelay $0x3  }
0xc5: {  	vm2 =	vnez.u8 v63  }
0xc6: {  	v63 =	vmpcnt.ones.xlane vm2;
	vm2 =	vnez.u8 v0;
	v0 =	vld [tilespmem:$0x1FEC0]  }
0xc7: {  	v56 =	vsel vm0, v56, v60;
	v60 =	vld [tilespmem:$0x1FED0];
	_ =	sdelay $0x3  }
0xc8: {  	v56 =	vsel vm6, v56, v61;
	v61 =	vld [tilespmem:$0x1FEE0]  }
0xc9: {  	vm0 =	vnez.u8 v60  }
0xca: {  	v55 =	vsel vm2, v55, v62;
	v62 =	vld [tilespmem:$0x1FEF0];
	v60 =	vmpcnt.ones.xlane vm0  }
0xcb: {  	v56 =	vsel vm9, v56, v63;
	v63 =	vld [tilespmem:$0x1FF00]  }
0xcc: {  	v56 =	vsel vm8, v56, v60;
	v60 =	vld [tilespmem:$0x1FF10]  }
0xcd: {  	vm0 =	vnez.u8 v61;
	v61 =	vld [tilespmem:$0x1FF20]  }
0xce: {  	v55 =	vsel vm13, v55, v59;
	v59 =	vmpcnt.ones.xlane vm0  }
0xcf: {  	v55 =	vsel vm5, v55, v58;
	vm0 =	vnez.u8 v62  }
0xd0: {  	v58 =	vmpcnt.ones.xlane vm0;
	v56 =	vsel vm15, v56, v59;
	vm15 =	vnez.u8 v63  }
0xd1: {  	vm2 =	vle.f32 v57, v54;
	v59 =	vmpcnt.ones.xlane vm15;
	vm15 =	vnez.u8 v60  }
0xd2: {  	(xrf0) =	vadd.scan.msk.s32 $0xffff, v55;
	v56 =	vsel vm10, v56, v58;
	v57 =	vmpcnt.ones.xlane vm15;
	vm15 =	vnez.u8 v61  }
0xd3: {  	v56 =	vsel vm14, v56, v59;
	v58 =	vmpcnt.ones.xlane vm15  }
0xd4: {  	[tilespmem:s26+$0x0] =	vst.msk vm2, v31;
	v60 =	vmpcnt.ones.xlane vm7;
	v56 =	vsel vm4, v56, v57  }
0xd5: {  	v59 =	vld [tilespmem:s3+$0xC60];
	v56 =	vsel vm11, v56, v58  }
0xd6: {  	v56 =	vsel vm12, v56, v60;
	v60 =	vld [tilespmem:$0x1FFE0];
	_ =	sdelay $0x1  }
0xd7: {  	v58, _, _ =	vpop (xrf0)  }
0xd8: {  	v62 =	vmpcnt.ones.xlane vm3;
	v55 =	vsub.s32 v58, v55  }
0xd9: {  	v57 =	vmpcnt.ones.xlane vm2;
	vm15 =	vle.f32 v59, v54;
	v59 =	vperm.xlane v55, v33  }
0xda: {  	[tilespmem:s28+$0x0] =	vst.msk vm15, v29;
	v56 =	vsel vm1, v56, v62;
	vm14 =	vnez.u8 v60;
	v60 =	vperm.xlane v55, v35  }
0xdb: {  	v61 =	vld [tilespmem:s3+$0xC70];
	v63 =	vperm.xlane v55, v37;
	vm12 =	vlt.s32 v59, v34;
	v59 =	vperm.xlane v55, v36  }
0xdc: {  	v56 =	vsel vm14, v56, v57;
	v57 =	vmpcnt.ones.xlane vm15;
	vm14 =	vlt.s32 v60, v34  }
0xdd: {  	v60 =	vsel vm12, $0x1, v33;
	vm15 =	vlt.s32 v59, v34;
	vm12 =	vlt.s32 v63, v34  }
0xde: {  	v62 =	vsel vm14, $0x1, v33;
	v56 =	vsel vm13, v56, v57;
	v59 =	vsel vm15, $0x1, v33  }
0xdf: {  	v57 =	vadd.s32 v60, v62;
	v60 =	vperm.xlane v55, v46;
	v62 =	vperm.xlane v55, v52  }
0xe0: {  	vm15 =	vle.f32 v61, v54;
	v57 =	vadd.s32 v59, v57;
	v59 =	vsel vm12, $0x1, v33  }
0xe1: {  	v63 =	vadd.s32 v59, v57;
	vm13 =	vlt.s32 v60, v34;
	vm14 =	vlt.s32 v62, v34  }
0xe2: {  	v59 =	vperm.xlane v55, v40;
	v60 =	vperm.xlane v55, v41;
	v61 =	vsel vm13, $0x1, v33  }
0xe3: {  	v57 =	vsel vm14, $0x1, v33;
	v54 =	vadd.s32 v61, v63;
	v61 =	vmpcnt.ones.xlane vm15  }
0xe4: {  	vm12 =	vlt.s32 v59, v34;
	vm13 =	vlt.s32 v60, v34;
	v59 =	vperm.xlane v55, v42  }
0xe5: {  	v60 =	vperm.xlane v55, v43;
	v54 =	vadd.s32 v57, v54;
	v62 =	vsel vm12, $0x1, v33  }
0xe6: {  	v58 =	vperm.xlane v58, v32;
	v57 =	vsel vm13, $0x1, v33;
	v54 =	vadd.s32 v62, v54  }
0xe7: {  	v56 =	vsel vm5, v56, v61;
	vm14 =	vlt.s32 v59, v34;
	vm12 =	vlt.s32 v60, v34  }
0xe8: {  	v59 =	vperm.xlane v55, v44;
	v60 =	vperm.xlane v55, v47;
	v54 =	vadd.s32 v57, v54  }
0xe9: {  	v63 =	vsel vm14, $0x1, v33;
	(xrf0) =	vadd.scan.msk.s32 $0xffff, v56;
	v57 =	vsel vm12, $0x1, v33;
	v56 =	vsub.s32 v58, v56  }
0xea: {  	v58 =	vperm.xlane v55, v50;
	v54 =	vadd.s32 v63, v54;
	vm13 =	vlt.s32 v59, v34  }
0xeb: {  	vm14 =	vlt.s32 v60, v34;
	v59 =	vperm.xlane v55, v48;
	v60 =	vperm.xlane v55, v49  }
0xec: {  	v54 =	vadd.s32 v57, v54;
	v61 =	vsel vm13, $0x1, v33;
	v57 =	vsel vm14, $0x1, v33  }
0xed: {  	vm14 =	vlt.s32 v58, v34;
	v54 =	vadd.s32 v61, v54;
	vm12 =	vlt.s32 v59, v34  }
0xee: {  	vm13 =	vlt.s32 v60, v34;
	v60 =	vperm.xlane v55, v32;
	v63 =	vsel vm14, $0x1, v33  }
0xef: {  	v54 =	vadd.s32 v57, v54;
	v62 =	vsel vm12, $0x1, v33;
	v57 =	vsel vm13, $0x1, v33;
	v59, _, _ =	vpop (xrf0)  }
0xf0: {  	v54 =	vadd.s32 v62, v54;
	vm12 =	vlt.s32 v60, v34;
	v56 =	vadd.s32 v59, v56  }
0xf1: {  	v54 =	vadd.s32 v57, v54;
	v61 =	vsel vm12, $0x1, v33;
	v60 =	vperm.xlane v56, v33  }
0xf2: {  	v54 =	vadd.s32 v63, v54;
	v59 =	vperm.xlane v56, v35;
	v63 =	vperm.xlane v56, v36  }
0xf3: {  	v54 =	vadd.s32 v61, v54;
	v61 =	vperm.xlane v56, v37  }
0xf4: {  	vm13 =	vlt.s32 v60, v34;
	vm14 =	vlt.s32 v59, v34;
	vm12 =	vlt.s32 v63, v34  }
0xf5: {  	v63 =	vperm.xlane v56, v46;
	v62 =	vsel vm13, $0x1, v33;
	v60 =	vsel vm14, $0x1, v33  }
0xf6: {  	vm13 =	vlt.s32 v61, v34;
	v61 =	vperm.xlane v56, v52;
	v54 =	vadd.s32 v62, v54  }
0xf7: {  	v62 =	vsel vm12, $0x1, v33;
	vm14 =	vlt.s32 v63, v34;
	v63 =	vperm.xlane v56, v40  }
0xf8: {  	v54 =	vadd.s32 v60, v54;
	v60 =	vsel vm13, $0x1, v33;
	vm12 =	vlt.s32 v61, v34  }
0xf9: {  	v61 =	vperm.xlane v56, v41;
	v54 =	vadd.s32 v62, v54;
	v62 =	vsel vm14, $0x1, v33  }
0xfa: {  	vm13 =	vlt.s32 v63, v34;
	v63 =	vperm.xlane v56, v42;
	v54 =	vadd.s32 v60, v54  }
0xfb: {  	v60 =	vsel vm12, $0x1, v33;
	vm14 =	vlt.s32 v61, v34;
	v61 =	vperm.xlane v56, v43  }
0xfc: {  	v54 =	vadd.s32 v62, v54;
	v62 =	vsel vm13, $0x1, v33;
	vm12 =	vlt.s32 v63, v34  }
0xfd: {  	v63 =	vperm.xlane v56, v44;
	v54 =	vadd.s32 v60, v54;
	v60 =	vsel vm14, $0x1, v33  }
0xfe: {  	vm13 =	vlt.s32 v61, v34;
	v61 =	vperm.xlane v56, v47;
	v54 =	vadd.s32 v62, v54  }
0xff: {  	v62 =	vsel vm12, $0x1, v33;
	vm14 =	vlt.s32 v63, v34;
	v63 =	vperm.xlane v56, v48  }
0x100: {  	v54 =	vadd.s32 v60, v54;
	v60 =	vsel vm13, $0x1, v33;
	vm12 =	vlt.s32 v61, v34  }
0x101: {  	v61 =	vperm.xlane v56, v49;
	v54 =	vadd.s32 v62, v54;
	v62 =	vsel vm14, $0x1, v33  }
0x102: {  	vm13 =	vlt.s32 v63, v34;
	v63 =	vperm.xlane v56, v32;
	v54 =	vadd.s32 v60, v54  }
0x103: {  	v60 =	vsel vm12, $0x1, v33;
	v54 =	vadd.s32 v62, v54;
	v62 =	vperm.xlane v56, v50  }
0x104: {  	v58 =	vsel vm13, $0x1, v33;
	vm14 =	vlt.s32 v61, v34;
	v54 =	vadd.s32 v60, v54  }
0x105: {  	v60 =	vsel vm14, $0x1, v33;
	v54 =	vadd.s32 v58, v54;
	vm12 =	vlt.s32 v62, v34  }
0x106: {  	vm13 =	vlt.s32 v63, v34;
	v54 =	vadd.s32 v60, v54;
	v57 =	vsel vm12, $0x1, v33  }
0x107: {  	v61 =	vsel vm13, $0x1, v33;
	v54 =	vadd.s32 v57, v54  }
0x108: {  	v54 =	vadd.s32 v61, v54  }
0x109: {  	v54 =	vmax.u32 v54, $0x1  }
0x10a: {  	v54 =	vsub.s32 v54, v35;
	_ =	sdelay $0x1  }
0x10b: {  	[tilespmem:s29+$0x0] =	vst.msk vm15, v30  }
0x10c: {  	[tilespmem:$0x14280] =	vst v55  }
0x10d: {  	[tilespmem:$0x14290] =	vst v56  }
0x10e: {  	v55 =	vld.idx.msk [tilespmem:v54+s30+$0x0], $0xffff;
	_ =	sdelay $0x3  }
0x10f: {  	v54 =	vshll.u32 v54, $0x4  }
0x110: {  	v54 =	vsub.s32 v54, v55  }
0x111: {  	v54 =	vadd.s32 v0, v54  }
0x112: {  	vm14 =	vgt.s32 v54, $0x0  }
0x113: {  	v54 =	vnsel vm14, $0x0, v54  }
0x114: {  	v54 =	vmin.u32 v54, $0x1FF;
	_ =	sdelay $0x4  }
0x115: {  	v54 =	vld.idx.msk [tilespmem:v54+s13+$0x0], $0xffff;
	_ =	sdelay $0x4  }
0x116: {  	vm15 =	vgt.s32 v54, $0x0  }
0x117: {  	v54 =	vnsel vm15, $0x0, v54  }
0x118: {  	v54 =	vmin.u32 v54, $0x1FF  }
0x119: {  	v62 =	vperm.xlane v54, v33;
	_ =	sdelay $0x1  }
0x11a: {  	v63 =	vperm.xlane v54, v35;
	v56 =	vadd.s32 v45, v62  }
0x11b: {  	v0 =	vld [tilespmem:$0x1FFB0];
	v55 =	vadd.s32 v51, v62  }
0x11c: {  	v36 =	vperm.xlane v54, v36;
	v58 =	vadd.s32 v45, v63  }
0x11d: {  	v57 =	vadd.s32 v51, v63  }
0x11e: {  	v52 =	vmov v29;
	v37 =	vperm.xlane v54, v37;
	v60 =	vadd.s32 v45, v36  }
0x11f: {  	v29 =	vmovc v25;
	v25 =	vmov v21;
	v46 =	vperm.xlane v54, v46;
	v59 =	vadd.s32 v51, v36;
	v56 =	vld.idx.msk [tilespmem:v56+s11+$0x0], $0xffff  }
0x120: {  	v21 =	vmovc v17;
	v17 =	vmovc v13;
	v13 =	vmov v9;
	vm11 =	vnez.u8 v0;
	v62 =	vadd.s32 v45, v37;
	v55 =	vld.idx.msk [tilespmem:v55+s11+$0x0], $0xffff  }
0x121: {  	v9 =	vmovc v5;
	v5 =	vmovc v1;
	v0 =	vimm.s32 $0x5;
	v61 =	vadd.s32 v51, v37;
	v1 =	vadd.s32 v45, v46;
	v58 =	vld.idx.msk [tilespmem:v58+s11+$0x0], $0xffff  }
0x122: {  	v63 =	vadd.s32 v51, v46;
	v36 =	vmovc v6;
	v6 =	vmov v2;
	v2 =	vperm.xlane v54, v0;
	v57 =	vld.idx.msk [tilespmem:v57+s11+$0x0], $0xffff  }
0x123: {  	v37 =	vmovc v15;
	v15 =	vmovc v11;
	v11 =	vmov v7;
	v7 =	vmov v3;
	v3 =	vperm.xlane v54, v40;
	v60 =	vld.idx.msk [tilespmem:v60+s11+$0x0], $0xffff  }
0x124: {  	v46 =	vmovc v20;
	v20 =	vmov v16;
	v0 =	vadd.s32 v45, v2;
	v59 =	vld.idx.msk [tilespmem:v59+s11+$0x0], $0xffff;
	v56 =	vadd.f32 $0.0e+00, v56  }
0x125: {  	v16 =	vmovc v12;
	v12 =	vmovc v8;
	v8 =	vmov v4;
	v2 =	vadd.s32 v51, v2;
	v62 =	vld.idx.msk [tilespmem:v62+s11+$0x0], $0xffff;
	v55 =	vadd.f32 $0.0e+00, v55  }
0x126: {  	v4 =	vperm.xlane v54, v41;
	v56 =	vadd.f32 v58, v56;
	v58 =	vld.idx.msk [tilespmem:v61+s11+$0x0], $0xffff;
	v61 =	vadd.s32 v45, v3  }
0x127: {  	v1 =	vld.idx.msk [tilespmem:v1+s11+$0x0], $0xffff;
	v55 =	vadd.f32 v57, v55;
	v3 =	vadd.s32 v51, v3  }
0x128: {  	v57 =	vld.idx.msk [tilespmem:v63+s11+$0x0], $0xffff;
	v63 =	vperm.xlane v54, v42;
	v56 =	vadd.f32 v60, v56;
	v60 =	vadd.s32 v45, v4  }
0x129: {  	v0 =	vld.idx.msk [tilespmem:v0+s11+$0x0], $0xffff;
	v55 =	vadd.f32 v59, v55;
	v4 =	vadd.s32 v51, v4  }
0x12a: {  	v2 =	vld.idx.msk [tilespmem:v2+s11+$0x0], $0xffff;
	v59 =	vadd.s32 v45, v63;
	v56 =	vadd.f32 v62, v56;
	v62 =	vperm.xlane v54, v43  }
0x12b: {  	v55 =	vadd.f32 v58, v55;
	v58 =	vld.idx.msk [tilespmem:v61+s11+$0x0], $0xffff;
	v61 =	vadd.s32 v51, v63  }
0x12c: {  	v3 =	vld.idx.msk [tilespmem:v3+s11+$0x0], $0xffff;
	v63 =	vperm.xlane v54, v44;
	v1 =	vadd.f32 v1, v56;
	v56 =	vadd.s32 v45, v62  }
0x12d: {  	v55 =	vadd.f32 v57, v55;
	v57 =	vld.idx.msk [tilespmem:v60+s11+$0x0], $0xffff;
	v60 =	vadd.s32 v51, v62  }
0x12e: {  	v62 =	vperm.xlane v54, v47;
	v0 =	vadd.f32 v0, v1;
	v1 =	vld.idx.msk [tilespmem:v4+s11+$0x0], $0xffff;
	v4 =	vadd.s32 v45, v63  }
0x12f: {  	v2 =	vadd.f32 v2, v55;
	v55 =	vld.idx.msk [tilespmem:v59+s11+$0x0], $0xffff;
	v59 =	vadd.s32 v51, v63  }
0x130: {  	v63 =	vperm.xlane v54, v48;
	v0 =	vadd.f32 v58, v0;
	v58 =	vld.idx.msk [tilespmem:v61+s11+$0x0], $0xffff;
	v61 =	vadd.s32 v45, v62  }
0x131: {  	v2 =	vadd.f32 v3, v2;
	v3 =	vld.idx.msk [tilespmem:v56+s11+$0x0], $0xffff;
	v56 =	vadd.s32 v51, v62  }
0x132: {  	v62 =	vperm.xlane v54, v49;
	v0 =	vadd.f32 v57, v0;
	v57 =	vld.idx.msk [tilespmem:v60+s11+$0x0], $0xffff;
	v60 =	vadd.s32 v45, v63  }
0x133: {  	v1 =	vadd.f32 v1, v2;
	v2 =	vld.idx.msk [tilespmem:v4+s11+$0x0], $0xffff;
	v4 =	vadd.s32 v51, v63  }
0x134: {  	v63 =	vperm.xlane v54, v50;
	v0 =	vadd.f32 v55, v0;
	v55 =	vld.idx.msk [tilespmem:v59+s11+$0x0], $0xffff;
	v59 =	vadd.s32 v45, v62  }
0x135: {  	v1 =	vadd.f32 v58, v1;
	v58 =	vld.idx.msk [tilespmem:v61+s11+$0x0], $0xffff;
	v61 =	vadd.s32 v51, v62  }
0x136: {  	v54 =	vperm.xlane v54, v32;
	v0 =	vadd.f32 v3, v0;
	v3 =	vld.idx.msk [tilespmem:v56+s11+$0x0], $0xffff;
	v56 =	vadd.s32 v45, v63  }
0x137: {  	v1 =	vadd.f32 v57, v1;
	v57 =	vld.idx.msk [tilespmem:v60+s11+$0x0], $0xffff;
	v60 =	vadd.s32 v51, v63  }
0x138: {  	v0 =	vadd.f32 v2, v0;
	v2 =	vld.idx.msk [tilespmem:v4+s11+$0x0], $0xffff;
	v4 =	vadd.s32 v45, v54  }
0x139: {  	v54 =	vadd.s32 v51, v54;
	v1 =	vadd.f32 v55, v1;
	v55 =	vld.idx.msk [tilespmem:v59+s11+$0x0], $0xffff  }
0x13a: {  	v62 =	vld.idx.msk [tilespmem:v61+s11+$0x0], $0xffff  }
0x13b: {  	v0 =	vadd.f32 v58, v0;
	v1 =	vadd.f32 v3, v1;
	v3 =	vld.idx.msk [tilespmem:v56+s11+$0x0], $0xffff  }
0x13c: {  	v63 =	vld.idx.msk [tilespmem:v60+s11+$0x0], $0xffff  }
0x13d: {  	v0 =	vadd.f32 v57, v0;
	v1 =	vadd.f32 v2, v1;
	v2 =	vld.idx.msk [tilespmem:v4+s11+$0x0], $0xffff  }
0x13e: {  	v4 =	vld.idx.msk [tilespmem:v54+s11+$0x0], $0xffff  }
0x13f: {  	v53 =	vand.u32 $0x7F, v53;
	v0 =	vadd.f32 v55, v0;
	v1 =	vadd.f32 v62, v1  }
0x140: {  	v53 =	vbroadcast v53, $0x0  }
0x141: {  	v0 =	vadd.f32 v3, v0;
	v1 =	vadd.f32 v63, v1  }
0x142: {  	v3 =	vor.u32 v38, v53  }
0x143: {  	v0 =	vadd.f32 v2, v0;
	v2 =	vor.u32 v39, v53;
	v1 =	vadd.f32 v4, v1;
	_ =	sdelay $0x1  }
0x144: {  	p0 =	sne.s32 s2, $0x7F;
	vm6 =	vmmov vm8;
	v0 =	vmul.f32 $6.250000000e-02, v0;
	v1 =	vmul.f32 $6.250000000e-02, v1  }
.Ltmp0:
0x145: {  	vm8 =	vmmov vm10;
	v4 =	vmovc v8;
	v8 =	vmovc v12;
	v12 =	vmov v16;
	v16 =	vmov v20;
	(pc) =	sbr.rel @p0 .LBB2_2-.Ltmp0, $4  }
0x146: {  	v20 =	vmovc v46;
	v46 =	vimm.s32 $0x4;
	[tilespmem:v3+s31+$0x0] =	vst.idx.msk $0xffff, v0;
	v3 =	vmovc v7;
	v7 =	vmov v11;
	v11 =	vmov v15  }
0x147: {  	v15 =	vmovc v37;
	v37 =	vimm.s32 $0x3;
	v0 =	vlaneseq.u32;
	[tilespmem:v2+s31+$0x0] =	vst.idx.msk $0xffff, v1;
	v2 =	vmovc v6;
	v6 =	vmov v36  }
0x148: {  	s0 =	sadd.s32 $0x80, s0;
	v36 =	vimm.s32 $0x2;
	v1 =	vmovc v5;
	v5 =	vmovc v9;
	v9 =	vmov v13;
	v13 =	vmov v17  }
0x149: {  	s9 =	sadd.s32 $0x4, s9;
	s2 =	sadd.s32 $0x1, s2;
	s12 =	sadd.s32 $0x200, s12;
	v17 =	vmovc v21;
	v21 =	vmovc v25;
	v25 =	vmov v29;
	v29 =	vmov v52;
	v52 =	vimm.s32 $0x5  }
0x14a: {  	s1 =	sadd.s32 $0x1, s1  }
0x14b: {  	p0 =	sne.s32 s1, s7  }
.Ltmp1:
0x14c: {  	s0 =	simm.s32 $0x1000;
	(pc) =	sbr.rel @p0 .LBB2_1-.Ltmp1, $4  }
0x14d: {  	[hbm4b:s6+s10] =	stream.strided.scatter [tilespmem:s31], [sflag:$0x1], $0x1000, s0, s10, $0x38;
	[tilespmem:$0x15300] =	vst v63  }
0x14e: {  	_ =	swait.ge [sflag:s8], $0x1000  }
0x14f: {  	[sflag:s8] =	ssyncset.done $0x0  }
0x150: {  	[sflag:s8] =	ssyncadd.s32 $0xFFFFF000  }
0x151: {  	_ =	sfence.sel $0x180000  }
0x152: {  	[bflag:$0x0] =	sbarrier.arrive $0xFFFF  }
0x153: {  	_ =	strace $0x90000047  }
0x154: {  	s0 =	stileid.u32;
	[bflag:$0x2] =	sbarrier.arrive $0xFFFF  }
0x155: {  	p0 =	sne.s32 s0, $0x0;
	s0 =	rddreg [dreg:$0x2]  }
0x156: {  	s0 =	sadd.s32 @!p0 $0x100000, s0  }
0x157: {  	[sflag:s0] =	ssyncadd.tile.s32 @!p0 $0x1;
	_ =	shalt  }
.Lfunc_end2:
_tile_overlayer_lowered:
.L_overlay_start_2:
0x158: {  	(tag) =	ssettag $0x2  }
0x159: {  	s0 =	rddreg [dreg:$0x0];
	s2 =	stileid.u32  }
0x15a: {  	s1 =	rddreg [dreg:$0x1];
	p0 =	sne.s32 s2, $0x0  }
0x15b: {  	s3 =	rddreg [dreg:$0x2];
	[bflag:$0x3] =	sbarrier.arrive $0xFFFF;
	s2 =	simm.s32 @!p0 $0x1C01  }
0x15c: {  	[timem:s3], [sflag:s2] =	dma.local @!p0 [hbm:s0], s1  }
0x15d: {  	s0 =	simm.s32 @!p0 $0x1  }
0x15e: {  	_ =	swait.ge @!p0 [sflag:s0], s1  }
0x15f: {  	s1 =	ssub.s32 @!p0 $0x0, s1;
	[sflag:s0] =	ssyncset.done @!p0 $0x0  }
0x160: {  	[sflag:s0] =	ssyncadd.s32 @!p0 s1  }
0x161: {  	[bflag:$0x3] =	sbarrier.arrive $0xFFFF  }
0x162: {  	_ =	shalt  }

</sc_bundles>
